<compile_context>
chip_gen: v7x
topology: tpu7x:2x2x1
jax: 0.10.2.dev20260603
libtpu: 0.0.44.dev20260713+nightly
codegen_flags: <defaults>
</compile_context>

<pallas_src>
import jax
import jax.numpy as jnp
from jax import lax
from jax.experimental import pallas as pl
from jax.experimental.pallas import tpu as pltpu
from jax.experimental.pallas import tpu_sc as plsc

_MAX_ATOMS = 13
_T = 512
_NC = 2
_NS = 16
_NW = _NC * _NS
_IW = 80


def _grouped_matmul_body(lohi_ref, ids_ref, rn_ref, w_ref, out_ref):
    out_ref[...] = jnp.zeros_like(out_ref)
    lo = lohi_ref[0, 0, 0]
    hi = lohi_ref[0, 0, 1]

    def body(p, carry):
        m = (ids_ref[0] == p).astype(jnp.float32)
        out_ref[...] += jnp.dot(rn_ref[...] * m, w_ref[p],
                                preferred_element_type=jnp.float32)
        return carry

    lax.fori_loop(lo, hi + 1, body, 0)
    out_ref[...] = jnp.maximum(out_ref[...], 0.0)


def kernel(x, nodes, fact, fact_dim, params, bias):
    F = fact.shape[0]
    N, L = nodes.shape
    P, _, R = params.shape
    fact = fact.astype(jnp.int32)

    ids = (x[fact[:, 0], 1].astype(jnp.int32) * _MAX_ATOMS
           + x[fact[:, 0], 2].astype(jnp.int32))
    ids_s, order = lax.sort_key_val(ids, jnp.arange(F, dtype=jnp.int32))

    cbj = pl.cdiv(pl.cdiv(F, _NW), _IW) * _IW
    rtot = _NW * 2 * cbj
    tiles = rtot // _T
    nck = cbj // _IW
    jpad = _NW * cbj - F
    assert rtot % _T == 0

    order_pad = jnp.pad(order, (0, jpad), mode="edge")
    jr = jnp.arange(_NW * cbj, dtype=jnp.int32)
    d0c = (2 * jr).reshape(_NW * nck, _IW)
    d1c = (2 * jr + 1).reshape(_NW * nck, _IW)
    u0c = order_pad.reshape(_NW * nck, _IW)
    u1c = (order_pad + F).reshape(_NW * nck, _IW)

    fact0 = fact[:, 0]
    fact1 = fact[:, 1]
    nodes_aug = jnp.concatenate(
        [nodes, jnp.ones((N, 1), nodes.dtype),
         jnp.zeros((N, R - L - 1), nodes.dtype)], axis=1)
    w_aug = jnp.concatenate(
        [params, bias, jnp.zeros((P, R - L - 1, R), params.dtype)], axis=1)
    mesh = plsc.VectorSubcoreMesh(core_axis_name="c", subcore_axis_name="s")

    def sc_gather(order_hbm, d0_hbm, d1_hbm, fact0_hbm, fact1_hbm, nodes_hbm,
                  rn_hbm,
                  o_v, d0_v, d1_v, f0_v, f1_v, rows0_v, rows1_v, s0, s1):
        wid = lax.axis_index("s") * _NC + lax.axis_index("c")
        pltpu.sync_copy(order_hbm.at[pl.ds(wid * cbj, cbj)], o_v)
        pltpu.sync_copy(d0_hbm.at[pl.ds(wid * nck, nck)], d0_v)
        pltpu.sync_copy(d1_hbm.at[pl.ds(wid * nck, nck)], d1_v)
        c0 = pltpu.async_copy(fact0_hbm.at[o_v], f0_v, s0)
        c1 = pltpu.async_copy(fact1_hbm.at[o_v], f1_v, s1)
        c0.wait()
        c1.wait()
        g0 = pltpu.async_copy(nodes_hbm.at[f0_v], rows0_v, s0)
        g1 = pltpu.async_copy(nodes_hbm.at[f1_v], rows1_v, s1)
        g0.wait()
        g1.wait()
        for c in range(nck):
            pltpu.async_copy(rows0_v.at[pl.ds(c * _IW, _IW)],
                             rn_hbm.at[d0_v.at[c]], s0)
            pltpu.async_copy(rows1_v.at[pl.ds(c * _IW, _IW)],
                             rn_hbm.at[d1_v.at[c]], s1)
        for c in range(nck):
            pltpu.make_async_copy(rows0_v.at[pl.ds(c * _IW, _IW)],
                                  rn_hbm.at[d0_v.at[c]], s0).wait()
            pltpu.make_async_copy(rows1_v.at[pl.ds(c * _IW, _IW)],
                                  rn_hbm.at[d1_v.at[c]], s1).wait()

    rn = pl.kernel(
        sc_gather,
        out_type=jax.ShapeDtypeStruct((rtot, R), jnp.float32),
        mesh=mesh,
        scratch_types=[
            pltpu.VMEM((cbj,), jnp.int32),
            pltpu.VMEM((nck, _IW), jnp.int32),
            pltpu.VMEM((nck, _IW), jnp.int32),
            pltpu.VMEM((cbj,), jnp.int32),
            pltpu.VMEM((cbj,), jnp.int32),
            pltpu.VMEM((cbj, R), jnp.float32),
            pltpu.VMEM((cbj, R), jnp.float32),
            pltpu.SemaphoreType.DMA,
            pltpu.SemaphoreType.DMA,
        ],
    )(order_pad, d0c, d1c, fact0, fact1, nodes_aug)

    ids_rep = jnp.repeat(jnp.pad(ids_s, (0, jpad), mode="edge"), 2)
    lohi = jnp.stack([ids_rep[::_T], ids_rep[_T - 1::_T]],
                     axis=1).astype(jnp.int32).reshape(tiles, 1, 2)
    ids_b = ids_rep.reshape(tiles, _T, 1).astype(jnp.int32)

    out_sorted = pl.pallas_call(
        _grouped_matmul_body,
        grid=(tiles,),
        in_specs=[
            pl.BlockSpec((1, 1, 2), lambda i: (i, 0, 0), memory_space=pltpu.SMEM),
            pl.BlockSpec((1, _T, 1), lambda i: (i, 0, 0)),
            pl.BlockSpec((_T, R), lambda i: (i, 0)),
            pl.BlockSpec((P, R, R), lambda i: (0, 0, 0)),
        ],
        out_specs=pl.BlockSpec((_T, R), lambda i: (i, 0)),
        out_shape=jax.ShapeDtypeStruct((rtot, R), jnp.float32),
    )(lohi, ids_b, rn, w_aug)

    s0c = (2 * jr).reshape(_NW * nck, _IW)
    s1c = (2 * jr + 1).reshape(_NW * nck, _IW)

    def sc_unsort2(outs_hbm, s0_hbm, s1_hbm, u0_hbm, u1_hbm, final_hbm,
                   s0_v, s1_v, u0_v, u1_v, rows_v, d0, d1):
        wid = lax.axis_index("s") * _NC + lax.axis_index("c")
        pltpu.sync_copy(s0_hbm.at[pl.ds(wid * nck, nck)], s0_v)
        pltpu.sync_copy(s1_hbm.at[pl.ds(wid * nck, nck)], s1_v)
        pltpu.sync_copy(u0_hbm.at[pl.ds(wid * nck, nck)], u0_v)
        pltpu.sync_copy(u1_hbm.at[pl.ds(wid * nck, nck)], u1_v)
        for c in range(nck):
            pltpu.async_copy(outs_hbm.at[s0_v.at[c]],
                             rows_v.at[pl.ds(c * _IW, _IW)], d0)
            pltpu.async_copy(outs_hbm.at[s1_v.at[c]],
                             rows_v.at[pl.ds(cbj + c * _IW, _IW)], d1)
        for c in range(nck):
            pltpu.make_async_copy(outs_hbm.at[s0_v.at[c]],
                                  rows_v.at[pl.ds(c * _IW, _IW)], d0).wait()
            pltpu.make_async_copy(outs_hbm.at[s1_v.at[c]],
                                  rows_v.at[pl.ds(cbj + c * _IW, _IW)], d1).wait()
        for c in range(nck):
            pltpu.async_copy(rows_v.at[pl.ds(c * _IW, _IW)],
                             final_hbm.at[u0_v.at[c]], d0)
            pltpu.async_copy(rows_v.at[pl.ds(cbj + c * _IW, _IW)],
                             final_hbm.at[u1_v.at[c]], d1)
        for c in range(nck):
            pltpu.make_async_copy(rows_v.at[pl.ds(c * _IW, _IW)],
                                  final_hbm.at[u0_v.at[c]], d0).wait()
            pltpu.make_async_copy(rows_v.at[pl.ds(cbj + c * _IW, _IW)],
                                  final_hbm.at[u1_v.at[c]], d1).wait()

    final = pl.kernel(
        sc_unsort2,
        out_type=jax.ShapeDtypeStruct((2 * F, R), jnp.float32),
        mesh=mesh,
        scratch_types=[
            pltpu.VMEM((nck, _IW), jnp.int32),
            pltpu.VMEM((nck, _IW), jnp.int32),
            pltpu.VMEM((nck, _IW), jnp.int32),
            pltpu.VMEM((nck, _IW), jnp.int32),
            pltpu.VMEM((2 * cbj, R), jnp.float32),
            pltpu.SemaphoreType.DMA,
            pltpu.SemaphoreType.DMA,
        ],
    )(out_sorted, s0c, s1c, u0c, u1c)

    return final.reshape(2, F, R)

# --- scband reference (transcript-rebuilt; emitter-appended) ---
"""Pipeline reference for scband-fgnet-type-b-2920577761788 (READ-ONLY COPY).

The authoritative reference and input builder live on the scoring server;
editing this copy changes nothing except your own understanding.
"""

import jax, jax.numpy as jnp
import numpy as np

LATENT = 64
RANK = 128
MAX_ATOMS = 13
NUM_PARAMS = MAX_ATOMS ** 2  # 169


def setup_inputs(seed: int = 0) -> dict:
    key = jax.random.key(seed)
    k1, k2, k3, k4, k5 = jax.random.split(key, 5)
    N = 10000
    F = 10000
    x = jax.random.randint(k1, (N, 3), 0, MAX_ATOMS)
    nodes = jax.random.normal(k2, (N, LATENT), dtype=jnp.float32)
    fact = jax.random.randint(k3, (F, 2), 0, N)
    params = jax.random.normal(k4, (NUM_PARAMS, LATENT, RANK), dtype=jnp.float32) * 0.02
    bias = jax.random.normal(k5, (NUM_PARAMS, 1, RANK), dtype=jnp.float32) * 0.02
    return {"x": x, "nodes": nodes, "fact": fact, "fact_dim": 2, "params": params, "bias": bias}


def reference(x, nodes, fact, fact_dim, params, bias):
    # fact_type == 'A' (string arg in the torch module; baked in here)
    F_ = fact.shape[0]
    N = nodes.shape[0]
    numer = jnp.arange(F_)
    sub_fact = fact
    nodes_to_edges = []
    transform_lst = []
    for i in range(sub_fact.shape[1]):
        # scatter-overwrite into a flat dense [N*F] buffer (torch: view(-1)[idx] = 1)
        flat = jnp.zeros((N * F_,), dtype=nodes.dtype)
        flat = flat.at[sub_fact[:, i] * F_ + numer].set(1.0)
        nodes_to_edges.append(flat.reshape(N, F_))
        # gather atom pairs and per-edge parameter slices
        atom_pairs = x[fact[:, 0]][:, 1:]
        ids = atom_pairs[:, 0] * MAX_ATOMS + atom_pairs[:, 1]
        rnodes = nodes[sub_fact[:, i]]
        w = params.reshape(NUM_PARAMS, LATENT * RANK)[ids].reshape(-1, LATENT, RANK)
        b = bias[ids]
        transform = rnodes[:, None, :] @ w + b  # [F,1,RANK]
        transform_lst.append(transform[:, 0, :][None])
    transform_cat = jax.nn.relu(jnp.concatenate(transform_lst, axis=0))  # [k, F, RANK]
    # message-passing accumulation exactly as in the torch forward (msg is a zeros buffer)
    node_msg = None
    for i in range(sub_fact.shape[1]):
        current_msg_x = jnp.zeros((F_, LATENT), dtype=nodes.dtype)
        m = nodes_to_edges[i] @ current_msg_x
        node_msg = m if node_msg is None else node_msg + m
    # the torch forward has no return; transform_cat is the meaningful computed tensor
    return transform_cat

if __name__ == "__main__":
    import jax
    _d = setup_inputs()
    print(jax.jit(kernel)(*tuple(_d.values())))

</pallas_src>

<mosaic_0001>
#map = affine_map<(d0, d1) -> (0, 0)>
module attributes {stable_mosaic.version = 14 : i64} {
  func.func @sc_unsort2(%arg0: i32, %arg1: i32, %arg2: memref<20480x128xf32, #tpu.memory_space<hbm>>, %arg3: memref<128x80xi32, #tpu.memory_space<hbm>>, %arg4: memref<128x80xi32, #tpu.memory_space<hbm>>, %arg5: memref<128x80xi32, #tpu.memory_space<hbm>>, %arg6: memref<128x80xi32, #tpu.memory_space<hbm>>, %arg7: memref<20000x128xf32, #tpu.memory_space<hbm>>, %arg8: memref<4x80xi32, #tpu.memory_space<vmem>>, %arg9: memref<4x80xi32, #tpu.memory_space<vmem>>, %arg10: memref<4x80xi32, #tpu.memory_space<vmem>>, %arg11: memref<4x80xi32, #tpu.memory_space<vmem>>, %arg12: memref<640x128xf32, #tpu.memory_space<vmem>>, %arg13: memref<!tpu.dma_semaphore, #tpu.memory_space<semaphore_mem>>, %arg14: memref<!tpu.dma_semaphore, #tpu.memory_space<semaphore_mem>>) attributes {dimension_semantics = [#tpu.dimension_semantics<core_parallel>, #tpu.dimension_semantics<subcore_parallel>], iteration_bounds = array<i64: 2, 16>, scalar_prefetch = 0 : i64, scratch_operands = 7 : i64, tpu.core_type = #tpu.core_type<sc_vector_subcore>, window_params = [{transform_indices = #map}, {transform_indices = #map}, {transform_indices = #map}, {transform_indices = #map}, {transform_indices = #map}, {transform_indices = #map}]} {
    %mul3A = arith.constant 2 : i32
    %mul3A_0 = arith.muli %arg1, %mul3A : i32
    %add3A = arith.addi %mul3A_0, %arg0 : i32
    %mul3A_1 = arith.constant 4 : i32
    %mul3A_2 = arith.muli %add3A, %mul3A_1 : i32
    "tpu.region"() ({
      %run_scoped3A = tpu.sem_alloc : memref<!tpu.dma_semaphore, #tpu.memory_space<semaphore_mem>>
      %dma_start3A_327 = arith.constant 0 : i32
      %dma_start3A_328 = tpu.memref_slice %arg3[%mul3A_2, %dma_start3A_327] : memref<128x80xi32, #tpu.memory_space<hbm>> -> memref<4x80xi32, #tpu.memory_space<hbm>>
      %dma_start3A_329 = arith.constant 0 : i32
      %dma_start3A_330 = tpu.memref_slice %arg3[%mul3A_2, %dma_start3A_329] : memref<128x80xi32, #tpu.memory_space<hbm>> -> memref<4x80xi32, #tpu.memory_space<hbm>>
      tpu.enqueue_dma source(%dma_start3A_330 : memref<4x80xi32, #tpu.memory_space<hbm>>) target(%arg8 : memref<4x80xi32, #tpu.memory_space<vmem>>) target_semaphore(%run_scoped3A : memref<!tpu.dma_semaphore, #tpu.memory_space<semaphore_mem>>)
      %dma_wait3A_331 = arith.constant 0 : i32
      %dma_wait3A_332 = tpu.memref_slice %arg3[%mul3A_2, %dma_wait3A_331] : memref<128x80xi32, #tpu.memory_space<hbm>> -> memref<4x80xi32, #tpu.memory_space<hbm>>
      %dma_wait3A_333 = arith.constant 0 : i32
      %dma_wait3A_334 = tpu.memref_slice %arg3[%mul3A_2, %dma_wait3A_333] : memref<128x80xi32, #tpu.memory_space<hbm>> -> memref<4x80xi32, #tpu.memory_space<hbm>>
      tpu.wait_dma2 semaphore(%run_scoped3A : memref<!tpu.dma_semaphore, #tpu.memory_space<semaphore_mem>>) src(%dma_wait3A_334 : memref<4x80xi32, #tpu.memory_space<hbm>>) dst(%arg8 : memref<4x80xi32, #tpu.memory_space<vmem>>)
      tpu.yield
    }) : () -> ()
    %mul3A_3 = arith.constant 4 : i32
    %mul3A_4 = arith.muli %add3A, %mul3A_3 : i32
    "tpu.region"() ({
      %run_scoped3A = tpu.sem_alloc : memref<!tpu.dma_semaphore, #tpu.memory_space<semaphore_mem>>
      %dma_start3A_327 = arith.constant 0 : i32
      %dma_start3A_328 = tpu.memref_slice %arg4[%mul3A_4, %dma_start3A_327] : memref<128x80xi32, #tpu.memory_space<hbm>> -> memref<4x80xi32, #tpu.memory_space<hbm>>
      %dma_start3A_329 = arith.constant 0 : i32
      %dma_start3A_330 = tpu.memref_slice %arg4[%mul3A_4, %dma_start3A_329] : memref<128x80xi32, #tpu.memory_space<hbm>> -> memref<4x80xi32, #tpu.memory_space<hbm>>
      tpu.enqueue_dma source(%dma_start3A_330 : memref<4x80xi32, #tpu.memory_space<hbm>>) target(%arg9 : memref<4x80xi32, #tpu.memory_space<vmem>>) target_semaphore(%run_scoped3A : memref<!tpu.dma_semaphore, #tpu.memory_space<semaphore_mem>>)
      %dma_wait3A_331 = arith.constant 0 : i32
      %dma_wait3A_332 = tpu.memref_slice %arg4[%mul3A_4, %dma_wait3A_331] : memref<128x80xi32, #tpu.memory_space<hbm>> -> memref<4x80xi32, #tpu.memory_space<hbm>>
      %dma_wait3A_333 = arith.constant 0 : i32
      %dma_wait3A_334 = tpu.memref_slice %arg4[%mul3A_4, %dma_wait3A_333] : memref<128x80xi32, #tpu.memory_space<hbm>> -> memref<4x80xi32, #tpu.memory_space<hbm>>
      tpu.wait_dma2 semaphore(%run_scoped3A : memref<!tpu.dma_semaphore, #tpu.memory_space<semaphore_mem>>) src(%dma_wait3A_334 : memref<4x80xi32, #tpu.memory_space<hbm>>) dst(%arg9 : memref<4x80xi32, #tpu.memory_space<vmem>>)
      tpu.yield
    }) : () -> ()
    %mul3A_5 = arith.constant 4 : i32
    %mul3A_6 = arith.muli %add3A, %mul3A_5 : i32
    "tpu.region"() ({
      %run_scoped3A = tpu.sem_alloc : memref<!tpu.dma_semaphore, #tpu.memory_space<semaphore_mem>>
      %dma_start3A_327 = arith.constant 0 : i32
      %dma_start3A_328 = tpu.memref_slice %arg5[%mul3A_6, %dma_start3A_327] : memref<128x80xi32, #tpu.memory_space<hbm>> -> memref<4x80xi32, #tpu.memory_space<hbm>>
      %dma_start3A_329 = arith.constant 0 : i32
      %dma_start3A_330 = tpu.memref_slice %arg5[%mul3A_6, %dma_start3A_329] : memref<128x80xi32, #tpu.memory_space<hbm>> -> memref<4x80xi32, #tpu.memory_space<hbm>>
      tpu.enqueue_dma source(%dma_start3A_330 : memref<4x80xi32, #tpu.memory_space<hbm>>) target(%arg10 : memref<4x80xi32, #tpu.memory_space<vmem>>) target_semaphore(%run_scoped3A : memref<!tpu.dma_semaphore, #tpu.memory_space<semaphore_mem>>)
      %dma_wait3A_331 = arith.constant 0 : i32
      %dma_wait3A_332 = tpu.memref_slice %arg5[%mul3A_6, %dma_wait3A_331] : memref<128x80xi32, #tpu.memory_space<hbm>> -> memref<4x80xi32, #tpu.memory_space<hbm>>
      %dma_wait3A_333 = arith.constant 0 : i32
      %dma_wait3A_334 = tpu.memref_slice %arg5[%mul3A_6, %dma_wait3A_333] : memref<128x80xi32, #tpu.memory_space<hbm>> -> memref<4x80xi32, #tpu.memory_space<hbm>>
      tpu.wait_dma2 semaphore(%run_scoped3A : memref<!tpu.dma_semaphore, #tpu.memory_space<semaphore_mem>>) src(%dma_wait3A_334 : memref<4x80xi32, #tpu.memory_space<hbm>>) dst(%arg10 : memref<4x80xi32, #tpu.memory_space<vmem>>)
      tpu.yield
    }) : () -> ()
    %mul3A_7 = arith.constant 4 : i32
    %mul3A_8 = arith.muli %add3A, %mul3A_7 : i32
    "tpu.region"() ({
      %run_scoped3A = tpu.sem_alloc : memref<!tpu.dma_semaphore, #tpu.memory_space<semaphore_mem>>
      %dma_start3A_327 = arith.constant 0 : i32
      %dma_start3A_328 = tpu.memref_slice %arg6[%mul3A_8, %dma_start3A_327] : memref<128x80xi32, #tpu.memory_space<hbm>> -> memref<4x80xi32, #tpu.memory_space<hbm>>
      %dma_start3A_329 = arith.constant 0 : i32
      %dma_start3A_330 = tpu.memref_slice %arg6[%mul3A_8, %dma_start3A_329] : memref<128x80xi32, #tpu.memory_space<hbm>> -> memref<4x80xi32, #tpu.memory_space<hbm>>
      tpu.enqueue_dma source(%dma_start3A_330 : memref<4x80xi32, #tpu.memory_space<hbm>>) target(%arg11 : memref<4x80xi32, #tpu.memory_space<vmem>>) target_semaphore(%run_scoped3A : memref<!tpu.dma_semaphore, #tpu.memory_space<semaphore_mem>>)
      %dma_wait3A_331 = arith.constant 0 : i32
      %dma_wait3A_332 = tpu.memref_slice %arg6[%mul3A_8, %dma_wait3A_331] : memref<128x80xi32, #tpu.memory_space<hbm>> -> memref<4x80xi32, #tpu.memory_space<hbm>>
      %dma_wait3A_333 = arith.constant 0 : i32
      %dma_wait3A_334 = tpu.memref_slice %arg6[%mul3A_8, %dma_wait3A_333] : memref<128x80xi32, #tpu.memory_space<hbm>> -> memref<4x80xi32, #tpu.memory_space<hbm>>
      tpu.wait_dma2 semaphore(%run_scoped3A : memref<!tpu.dma_semaphore, #tpu.memory_space<semaphore_mem>>) src(%dma_wait3A_334 : memref<4x80xi32, #tpu.memory_space<hbm>>) dst(%arg11 : memref<4x80xi32, #tpu.memory_space<vmem>>)
      tpu.yield
    }) : () -> ()
    %dma_start3A = arith.constant 0 : i32
    %dma_start3A_9 = arith.constant 0 : i32
    %dma_start3A_10 = arith.constant 0 : i32
    %dma_start3A_11 = tpu.memref_slice %arg12[%dma_start3A_9, %dma_start3A_10] : memref<640x128xf32, #tpu.memory_space<vmem>> -> memref<80x128xf32, #tpu.memory_space<vmem>>
    %dma_start3A_12 = arith.constant 0 : i32
    %dma_start3A_13 = tpu.memref_slice %arg8[%dma_start3A, %dma_start3A_12] : memref<4x80xi32, #tpu.memory_space<vmem>> -> memref<1x80xi32, #tpu.memory_space<vmem>>
    %dma_start3A_14 = tpu.memref_squeeze %dma_start3A_13 : memref<1x80xi32, #tpu.memory_space<vmem>> -> memref<80xi32, #tpu.memory_space<vmem>>
    %dma_start3A_15 = arith.constant 0 : i32
    %dma_start3A_16 = arith.constant 0 : i32
    %dma_start3A_17 = tpu.memref_slice %arg2[%dma_start3A_15, %dma_start3A_16] : memref<20480x128xf32, #tpu.memory_space<hbm>> -> memref<20480x128xf32, #tpu.memory_space<hbm>>
    tpu.enqueue_indirect_dma source(%dma_start3A_17 : memref<20480x128xf32, #tpu.memory_space<hbm>>) target(%dma_start3A_11 : memref<80x128xf32, #tpu.memory_space<vmem>>) offsets(%dma_start3A_14 : memref<80xi32, #tpu.memory_space<vmem>>) semaphore(%arg13 : memref<!tpu.dma_semaphore, #tpu.memory_space<semaphore_mem>>)
    %dma_start3A_18 = arith.constant 0 : i32
    %dma_start3A_19 = arith.constant 320 : i32
    %dma_start3A_20 = arith.constant 0 : i32
    %dma_start3A_21 = tpu.memref_slice %arg12[%dma_start3A_19, %dma_start3A_20] : memref<640x128xf32, #tpu.memory_space<vmem>> -> memref<80x128xf32, #tpu.memory_space<vmem>>
    %dma_start3A_22 = arith.constant 0 : i32
    %dma_start3A_23 = tpu.memref_slice %arg9[%dma_start3A_18, %dma_start3A_22] : memref<4x80xi32, #tpu.memory_space<vmem>> -> memref<1x80xi32, #tpu.memory_space<vmem>>
    %dma_start3A_24 = tpu.memref_squeeze %dma_start3A_23 : memref<1x80xi32, #tpu.memory_space<vmem>> -> memref<80xi32, #tpu.memory_space<vmem>>
    %dma_start3A_25 = arith.constant 0 : i32
    %dma_start3A_26 = arith.constant 0 : i32
    %dma_start3A_27 = tpu.memref_slice %arg2[%dma_start3A_25, %dma_start3A_26] : memref<20480x128xf32, #tpu.memory_space<hbm>> -> memref<20480x128xf32, #tpu.memory_space<hbm>>
    tpu.enqueue_indirect_dma source(%dma_start3A_27 : memref<20480x128xf32, #tpu.memory_space<hbm>>) target(%dma_start3A_21 : memref<80x128xf32, #tpu.memory_space<vmem>>) offsets(%dma_start3A_24 : memref<80xi32, #tpu.memory_space<vmem>>) semaphore(%arg14 : memref<!tpu.dma_semaphore, #tpu.memory_space<semaphore_mem>>)
    %dma_start3A_28 = arith.constant 1 : i32
    %dma_start3A_29 = arith.constant 80 : i32
    %dma_start3A_30 = arith.constant 0 : i32
    %dma_start3A_31 = tpu.memref_slice %arg12[%dma_start3A_29, %dma_start3A_30] : memref<640x128xf32, #tpu.memory_space<vmem>> -> memref<80x128xf32, #tpu.memory_space<vmem>>
    %dma_start3A_32 = arith.constant 0 : i32
    %dma_start3A_33 = tpu.memref_slice %arg8[%dma_start3A_28, %dma_start3A_32] : memref<4x80xi32, #tpu.memory_space<vmem>> -> memref<1x80xi32, #tpu.memory_space<vmem>>
    %dma_start3A_34 = tpu.memref_squeeze %dma_start3A_33 : memref<1x80xi32, #tpu.memory_space<vmem>> -> memref<80xi32, #tpu.memory_space<vmem>>
    %dma_start3A_35 = arith.constant 0 : i32
    %dma_start3A_36 = arith.constant 0 : i32
    %dma_start3A_37 = tpu.memref_slice %arg2[%dma_start3A_35, %dma_start3A_36] : memref<20480x128xf32, #tpu.memory_space<hbm>> -> memref<20480x128xf32, #tpu.memory_space<hbm>>
    tpu.enqueue_indirect_dma source(%dma_start3A_37 : memref<20480x128xf32, #tpu.memory_space<hbm>>) target(%dma_start3A_31 : memref<80x128xf32, #tpu.memory_space<vmem>>) offsets(%dma_start3A_34 : memref<80xi32, #tpu.memory_space<vmem>>) semaphore(%arg13 : memref<!tpu.dma_semaphore, #tpu.memory_space<semaphore_mem>>)
    %dma_start3A_38 = arith.constant 1 : i32
    %dma_start3A_39 = arith.constant 400 : i32
    %dma_start3A_40 = arith.constant 0 : i32
    %dma_start3A_41 = tpu.memref_slice %arg12[%dma_start3A_39, %dma_start3A_40] : memref<640x128xf32, #tpu.memory_space<vmem>> -> memref<80x128xf32, #tpu.memory_space<vmem>>
    %dma_start3A_42 = arith.constant 0 : i32
    %dma_start3A_43 = tpu.memref_slice %arg9[%dma_start3A_38, %dma_start3A_42] : memref<4x80xi32, #tpu.memory_space<vmem>> -> memref<1x80xi32, #tpu.memory_space<vmem>>
    %dma_start3A_44 = tpu.memref_squeeze %dma_start3A_43 : memref<1x80xi32, #tpu.memory_space<vmem>> -> memref<80xi32, #tpu.memory_space<vmem>>
    %dma_start3A_45 = arith.constant 0 : i32
    %dma_start3A_46 = arith.constant 0 : i32
    %dma_start3A_47 = tpu.memref_slice %arg2[%dma_start3A_45, %dma_start3A_46] : memref<20480x128xf32, #tpu.memory_space<hbm>> -> memref<20480x128xf32, #tpu.memory_space<hbm>>
    tpu.enqueue_indirect_dma source(%dma_start3A_47 : memref<20480x128xf32, #tpu.memory_space<hbm>>) target(%dma_start3A_41 : memref<80x128xf32, #tpu.memory_space<vmem>>) offsets(%dma_start3A_44 : memref<80xi32, #tpu.memory_space<vmem>>) semaphore(%arg14 : memref<!tpu.dma_semaphore, #tpu.memory_space<semaphore_mem>>)
    %dma_start3A_48 = arith.constant 2 : i32
    %dma_start3A_49 = arith.constant 160 : i32
    %dma_start3A_50 = arith.constant 0 : i32
    %dma_start3A_51 = tpu.memref_slice %arg12[%dma_start3A_49, %dma_start3A_50] : memref<640x128xf32, #tpu.memory_space<vmem>> -> memref<80x128xf32, #tpu.memory_space<vmem>>
    %dma_start3A_52 = arith.constant 0 : i32
    %dma_start3A_53 = tpu.memref_slice %arg8[%dma_start3A_48, %dma_start3A_52] : memref<4x80xi32, #tpu.memory_space<vmem>> -> memref<1x80xi32, #tpu.memory_space<vmem>>
    %dma_start3A_54 = tpu.memref_squeeze %dma_start3A_53 : memref<1x80xi32, #tpu.memory_space<vmem>> -> memref<80xi32, #tpu.memory_space<vmem>>
    %dma_start3A_55 = arith.constant 0 : i32
    %dma_start3A_56 = arith.constant 0 : i32
    %dma_start3A_57 = tpu.memref_slice %arg2[%dma_start3A_55, %dma_start3A_56] : memref<20480x128xf32, #tpu.memory_space<hbm>> -> memref<20480x128xf32, #tpu.memory_space<hbm>>
    tpu.enqueue_indirect_dma source(%dma_start3A_57 : memref<20480x128xf32, #tpu.memory_space<hbm>>) target(%dma_start3A_51 : memref<80x128xf32, #tpu.memory_space<vmem>>) offsets(%dma_start3A_54 : memref<80xi32, #tpu.memory_space<vmem>>) semaphore(%arg13 : memref<!tpu.dma_semaphore, #tpu.memory_space<semaphore_mem>>)
    %dma_start3A_58 = arith.constant 2 : i32
    %dma_start3A_59 = arith.constant 480 : i32
    %dma_start3A_60 = arith.constant 0 : i32
    %dma_start3A_61 = tpu.memref_slice %arg12[%dma_start3A_59, %dma_start3A_60] : memref<640x128xf32, #tpu.memory_space<vmem>> -> memref<80x128xf32, #tpu.memory_space<vmem>>
    %dma_start3A_62 = arith.constant 0 : i32
    %dma_start3A_63 = tpu.memref_slice %arg9[%dma_start3A_58, %dma_start3A_62] : memref<4x80xi32, #tpu.memory_space<vmem>> -> memref<1x80xi32, #tpu.memory_space<vmem>>
    %dma_start3A_64 = tpu.memref_squeeze %dma_start3A_63 : memref<1x80xi32, #tpu.memory_space<vmem>> -> memref<80xi32, #tpu.memory_space<vmem>>
    %dma_start3A_65 = arith.constant 0 : i32
    %dma_start3A_66 = arith.constant 0 : i32
    %dma_start3A_67 = tpu.memref_slice %arg2[%dma_start3A_65, %dma_start3A_66] : memref<20480x128xf32, #tpu.memory_space<hbm>> -> memref<20480x128xf32, #tpu.memory_space<hbm>>
    tpu.enqueue_indirect_dma source(%dma_start3A_67 : memref<20480x128xf32, #tpu.memory_space<hbm>>) target(%dma_start3A_61 : memref<80x128xf32, #tpu.memory_space<vmem>>) offsets(%dma_start3A_64 : memref<80xi32, #tpu.memory_space<vmem>>) semaphore(%arg14 : memref<!tpu.dma_semaphore, #tpu.memory_space<semaphore_mem>>)
    %dma_start3A_68 = arith.constant 3 : i32
    %dma_start3A_69 = arith.constant 240 : i32
    %dma_start3A_70 = arith.constant 0 : i32
    %dma_start3A_71 = tpu.memref_slice %arg12[%dma_start3A_69, %dma_start3A_70] : memref<640x128xf32, #tpu.memory_space<vmem>> -> memref<80x128xf32, #tpu.memory_space<vmem>>
    %dma_start3A_72 = arith.constant 0 : i32
    %dma_start3A_73 = tpu.memref_slice %arg8[%dma_start3A_68, %dma_start3A_72] : memref<4x80xi32, #tpu.memory_space<vmem>> -> memref<1x80xi32, #tpu.memory_space<vmem>>
    %dma_start3A_74 = tpu.memref_squeeze %dma_start3A_73 : memref<1x80xi32, #tpu.memory_space<vmem>> -> memref<80xi32, #tpu.memory_space<vmem>>
    %dma_start3A_75 = arith.constant 0 : i32
    %dma_start3A_76 = arith.constant 0 : i32
    %dma_start3A_77 = tpu.memref_slice %arg2[%dma_start3A_75, %dma_start3A_76] : memref<20480x128xf32, #tpu.memory_space<hbm>> -> memref<20480x128xf32, #tpu.memory_space<hbm>>
    tpu.enqueue_indirect_dma source(%dma_start3A_77 : memref<20480x128xf32, #tpu.memory_space<hbm>>) target(%dma_start3A_71 : memref<80x128xf32, #tpu.memory_space<vmem>>) offsets(%dma_start3A_74 : memref<80xi32, #tpu.memory_space<vmem>>) semaphore(%arg13 : memref<!tpu.dma_semaphore, #tpu.memory_space<semaphore_mem>>)
    %dma_start3A_78 = arith.constant 3 : i32
    %dma_start3A_79 = arith.constant 560 : i32
    %dma_start3A_80 = arith.constant 0 : i32
    %dma_start3A_81 = tpu.memref_slice %arg12[%dma_start3A_79, %dma_start3A_80] : memref<640x128xf32, #tpu.memory_space<vmem>> -> memref<80x128xf32, #tpu.memory_space<vmem>>
    %dma_start3A_82 = arith.constant 0 : i32
    %dma_start3A_83 = tpu.memref_slice %arg9[%dma_start3A_78, %dma_start3A_82] : memref<4x80xi32, #tpu.memory_space<vmem>> -> memref<1x80xi32, #tpu.memory_space<vmem>>
    %dma_start3A_84 = tpu.memref_squeeze %dma_start3A_83 : memref<1x80xi32, #tpu.memory_space<vmem>> -> memref<80xi32, #tpu.memory_space<vmem>>
    %dma_start3A_85 = arith.constant 0 : i32
    %dma_start3A_86 = arith.constant 0 : i32
    %dma_start3A_87 = tpu.memref_slice %arg2[%dma_start3A_85, %dma_start3A_86] : memref<20480x128xf32, #tpu.memory_space<hbm>> -> memref<20480x128xf32, #tpu.memory_space<hbm>>
    tpu.enqueue_indirect_dma source(%dma_start3A_87 : memref<20480x128xf32, #tpu.memory_space<hbm>>) target(%dma_start3A_81 : memref<80x128xf32, #tpu.memory_space<vmem>>) offsets(%dma_start3A_84 : memref<80xi32, #tpu.memory_space<vmem>>) semaphore(%arg14 : memref<!tpu.dma_semaphore, #tpu.memory_space<semaphore_mem>>)
    %dma_wait3A = arith.constant 0 : i32
    %dma_wait3A_88 = arith.constant 0 : i32
    %dma_wait3A_89 = arith.constant 0 : i32
    %dma_wait3A_90 = tpu.memref_slice %arg12[%dma_wait3A_88, %dma_wait3A_89] : memref<640x128xf32, #tpu.memory_space<vmem>> -> memref<80x128xf32, #tpu.memory_space<vmem>>
    %dma_wait3A_91 = arith.constant 0 : i32
    %dma_wait3A_92 = tpu.memref_slice %arg8[%dma_wait3A, %dma_wait3A_91] : memref<4x80xi32, #tpu.memory_space<vmem>> -> memref<1x80xi32, #tpu.memory_space<vmem>>
    %dma_wait3A_93 = tpu.memref_squeeze %dma_wait3A_92 : memref<1x80xi32, #tpu.memory_space<vmem>> -> memref<80xi32, #tpu.memory_space<vmem>>
    %dma_wait3A_94 = arith.constant 0 : i32
    %dma_wait3A_95 = arith.constant 0 : i32
    %dma_wait3A_96 = tpu.memref_slice %arg2[%dma_wait3A_94, %dma_wait3A_95] : memref<20480x128xf32, #tpu.memory_space<hbm>> -> memref<20480x128xf32, #tpu.memory_space<hbm>>
    tpu.wait_indirect_dma semaphore(%arg13 : memref<!tpu.dma_semaphore, #tpu.memory_space<semaphore_mem>>) src(%dma_wait3A_96 : memref<20480x128xf32, #tpu.memory_space<hbm>>) dst(%dma_wait3A_90 : memref<80x128xf32, #tpu.memory_space<vmem>>)
    %dma_wait3A_97 = arith.constant 0 : i32
    %dma_wait3A_98 = arith.constant 320 : i32
    %dma_wait3A_99 = arith.constant 0 : i32
    %dma_wait3A_100 = tpu.memref_slice %arg12[%dma_wait3A_98, %dma_wait3A_99] : memref<640x128xf32, #tpu.memory_space<vmem>> -> memref<80x128xf32, #tpu.memory_space<vmem>>
    %dma_wait3A_101 = arith.constant 0 : i32
    %dma_wait3A_102 = tpu.memref_slice %arg9[%dma_wait3A_97, %dma_wait3A_101] : memref<4x80xi32, #tpu.memory_space<vmem>> -> memref<1x80xi32, #tpu.memory_space<vmem>>
    %dma_wait3A_103 = tpu.memref_squeeze %dma_wait3A_102 : memref<1x80xi32, #tpu.memory_space<vmem>> -> memref<80xi32, #tpu.memory_space<vmem>>
    %dma_wait3A_104 = arith.constant 0 : i32
    %dma_wait3A_105 = arith.constant 0 : i32
    %dma_wait3A_106 = tpu.memref_slice %arg2[%dma_wait3A_104, %dma_wait3A_105] : memref<20480x128xf32, #tpu.memory_space<hbm>> -> memref<20480x128xf32, #tpu.memory_space<hbm>>
    tpu.wait_indirect_dma semaphore(%arg14 : memref<!tpu.dma_semaphore, #tpu.memory_space<semaphore_mem>>) src(%dma_wait3A_106 : memref<20480x128xf32, #tpu.memory_space<hbm>>) dst(%dma_wait3A_100 : memref<80x128xf32, #tpu.memory_space<vmem>>)
    %dma_wait3A_107 = arith.constant 1 : i32
    %dma_wait3A_108 = arith.constant 80 : i32
    %dma_wait3A_109 = arith.constant 0 : i32
    %dma_wait3A_110 = tpu.memref_slice %arg12[%dma_wait3A_108, %dma_wait3A_109] : memref<640x128xf32, #tpu.memory_space<vmem>> -> memref<80x128xf32, #tpu.memory_space<vmem>>
    %dma_wait3A_111 = arith.constant 0 : i32
    %dma_wait3A_112 = tpu.memref_slice %arg8[%dma_wait3A_107, %dma_wait3A_111] : memref<4x80xi32, #tpu.memory_space<vmem>> -> memref<1x80xi32, #tpu.memory_space<vmem>>
    %dma_wait3A_113 = tpu.memref_squeeze %dma_wait3A_112 : memref<1x80xi32, #tpu.memory_space<vmem>> -> memref<80xi32, #tpu.memory_space<vmem>>
    %dma_wait3A_114 = arith.constant 0 : i32
    %dma_wait3A_115 = arith.constant 0 : i32
    %dma_wait3A_116 = tpu.memref_slice %arg2[%dma_wait3A_114, %dma_wait3A_115] : memref<20480x128xf32, #tpu.memory_space<hbm>> -> memref<20480x128xf32, #tpu.memory_space<hbm>>
    tpu.wait_indirect_dma semaphore(%arg13 : memref<!tpu.dma_semaphore, #tpu.memory_space<semaphore_mem>>) src(%dma_wait3A_116 : memref<20480x128xf32, #tpu.memory_space<hbm>>) dst(%dma_wait3A_110 : memref<80x128xf32, #tpu.memory_space<vmem>>)
    %dma_wait3A_117 = arith.constant 1 : i32
    %dma_wait3A_118 = arith.constant 400 : i32
    %dma_wait3A_119 = arith.constant 0 : i32
    %dma_wait3A_120 = tpu.memref_slice %arg12[%dma_wait3A_118, %dma_wait3A_119] : memref<640x128xf32, #tpu.memory_space<vmem>> -> memref<80x128xf32, #tpu.memory_space<vmem>>
    %dma_wait3A_121 = arith.constant 0 : i32
    %dma_wait3A_122 = tpu.memref_slice %arg9[%dma_wait3A_117, %dma_wait3A_121] : memref<4x80xi32, #tpu.memory_space<vmem>> -> memref<1x80xi32, #tpu.memory_space<vmem>>
    %dma_wait3A_123 = tpu.memref_squeeze %dma_wait3A_122 : memref<1x80xi32, #tpu.memory_space<vmem>> -> memref<80xi32, #tpu.memory_space<vmem>>
    %dma_wait3A_124 = arith.constant 0 : i32
    %dma_wait3A_125 = arith.constant 0 : i32
    %dma_wait3A_126 = tpu.memref_slice %arg2[%dma_wait3A_124, %dma_wait3A_125] : memref<20480x128xf32, #tpu.memory_space<hbm>> -> memref<20480x128xf32, #tpu.memory_space<hbm>>
    tpu.wait_indirect_dma semaphore(%arg14 : memref<!tpu.dma_semaphore, #tpu.memory_space<semaphore_mem>>) src(%dma_wait3A_126 : memref<20480x128xf32, #tpu.memory_space<hbm>>) dst(%dma_wait3A_120 : memref<80x128xf32, #tpu.memory_space<vmem>>)
    %dma_wait3A_127 = arith.constant 2 : i32
    %dma_wait3A_128 = arith.constant 160 : i32
    %dma_wait3A_129 = arith.constant 0 : i32
    %dma_wait3A_130 = tpu.memref_slice %arg12[%dma_wait3A_128, %dma_wait3A_129] : memref<640x128xf32, #tpu.memory_space<vmem>> -> memref<80x128xf32, #tpu.memory_space<vmem>>
    %dma_wait3A_131 = arith.constant 0 : i32
    %dma_wait3A_132 = tpu.memref_slice %arg8[%dma_wait3A_127, %dma_wait3A_131] : memref<4x80xi32, #tpu.memory_space<vmem>> -> memref<1x80xi32, #tpu.memory_space<vmem>>
    %dma_wait3A_133 = tpu.memref_squeeze %dma_wait3A_132 : memref<1x80xi32, #tpu.memory_space<vmem>> -> memref<80xi32, #tpu.memory_space<vmem>>
    %dma_wait3A_134 = arith.constant 0 : i32
    %dma_wait3A_135 = arith.constant 0 : i32
    %dma_wait3A_136 = tpu.memref_slice %arg2[%dma_wait3A_134, %dma_wait3A_135] : memref<20480x128xf32, #tpu.memory_space<hbm>> -> memref<20480x128xf32, #tpu.memory_space<hbm>>
    tpu.wait_indirect_dma semaphore(%arg13 : memref<!tpu.dma_semaphore, #tpu.memory_space<semaphore_mem>>) src(%dma_wait3A_136 : memref<20480x128xf32, #tpu.memory_space<hbm>>) dst(%dma_wait3A_130 : memref<80x128xf32, #tpu.memory_space<vmem>>)
    %dma_wait3A_137 = arith.constant 2 : i32
    %dma_wait3A_138 = arith.constant 480 : i32
    %dma_wait3A_139 = arith.constant 0 : i32
    %dma_wait3A_140 = tpu.memref_slice %arg12[%dma_wait3A_138, %dma_wait3A_139] : memref<640x128xf32, #tpu.memory_space<vmem>> -> memref<80x128xf32, #tpu.memory_space<vmem>>
    %dma_wait3A_141 = arith.constant 0 : i32
    %dma_wait3A_142 = tpu.memref_slice %arg9[%dma_wait3A_137, %dma_wait3A_141] : memref<4x80xi32, #tpu.memory_space<vmem>> -> memref<1x80xi32, #tpu.memory_space<vmem>>
    %dma_wait3A_143 = tpu.memref_squeeze %dma_wait3A_142 : memref<1x80xi32, #tpu.memory_space<vmem>> -> memref<80xi32, #tpu.memory_space<vmem>>
    %dma_wait3A_144 = arith.constant 0 : i32
    %dma_wait3A_145 = arith.constant 0 : i32
    %dma_wait3A_146 = tpu.memref_slice %arg2[%dma_wait3A_144, %dma_wait3A_145] : memref<20480x128xf32, #tpu.memory_space<hbm>> -> memref<20480x128xf32, #tpu.memory_space<hbm>>
    tpu.wait_indirect_dma semaphore(%arg14 : memref<!tpu.dma_semaphore, #tpu.memory_space<semaphore_mem>>) src(%dma_wait3A_146 : memref<20480x128xf32, #tpu.memory_space<hbm>>) dst(%dma_wait3A_140 : memref<80x128xf32, #tpu.memory_space<vmem>>)
    %dma_wait3A_147 = arith.constant 3 : i32
    %dma_wait3A_148 = arith.constant 240 : i32
    %dma_wait3A_149 = arith.constant 0 : i32
    %dma_wait3A_150 = tpu.memref_slice %arg12[%dma_wait3A_148, %dma_wait3A_149] : memref<640x128xf32, #tpu.memory_space<vmem>> -> memref<80x128xf32, #tpu.memory_space<vmem>>
    %dma_wait3A_151 = arith.constant 0 : i32
    %dma_wait3A_152 = tpu.memref_slice %arg8[%dma_wait3A_147, %dma_wait3A_151] : memref<4x80xi32, #tpu.memory_space<vmem>> -> memref<1x80xi32, #tpu.memory_space<vmem>>
    %dma_wait3A_153 = tpu.memref_squeeze %dma_wait3A_152 : memref<1x80xi32, #tpu.memory_space<vmem>> -> memref<80xi32, #tpu.memory_space<vmem>>
    %dma_wait3A_154 = arith.constant 0 : i32
    %dma_wait3A_155 = arith.constant 0 : i32
    %dma_wait3A_156 = tpu.memref_slice %arg2[%dma_wait3A_154, %dma_wait3A_155] : memref<20480x128xf32, #tpu.memory_space<hbm>> -> memref<20480x128xf32, #tpu.memory_space<hbm>>
    tpu.wait_indirect_dma semaphore(%arg13 : memref<!tpu.dma_semaphore, #tpu.memory_space<semaphore_mem>>) src(%dma_wait3A_156 : memref<20480x128xf32, #tpu.memory_space<hbm>>) dst(%dma_wait3A_150 : memref<80x128xf32, #tpu.memory_space<vmem>>)
    %dma_wait3A_157 = arith.constant 3 : i32
    %dma_wait3A_158 = arith.constant 560 : i32
    %dma_wait3A_159 = arith.constant 0 : i32
    %dma_wait3A_160 = tpu.memref_slice %arg12[%dma_wait3A_158, %dma_wait3A_159] : memref<640x128xf32, #tpu.memory_space<vmem>> -> memref<80x128xf32, #tpu.memory_space<vmem>>
    %dma_wait3A_161 = arith.constant 0 : i32
    %dma_wait3A_162 = tpu.memref_slice %arg9[%dma_wait3A_157, %dma_wait3A_161] : memref<4x80xi32, #tpu.memory_space<vmem>> -> memref<1x80xi32, #tpu.memory_space<vmem>>
    %dma_wait3A_163 = tpu.memref_squeeze %dma_wait3A_162 : memref<1x80xi32, #tpu.memory_space<vmem>> -> memref<80xi32, #tpu.memory_space<vmem>>
    %dma_wait3A_164 = arith.constant 0 : i32
    %dma_wait3A_165 = arith.constant 0 : i32
    %dma_wait3A_166 = tpu.memref_slice %arg2[%dma_wait3A_164, %dma_wait3A_165] : memref<20480x128xf32, #tpu.memory_space<hbm>> -> memref<20480x128xf32, #tpu.memory_space<hbm>>
    tpu.wait_indirect_dma semaphore(%arg14 : memref<!tpu.dma_semaphore, #tpu.memory_space<semaphore_mem>>) src(%dma_wait3A_166 : memref<20480x128xf32, #tpu.memory_space<hbm>>) dst(%dma_wait3A_160 : memref<80x128xf32, #tpu.memory_space<vmem>>)
    %dma_start3A_167 = arith.constant 0 : i32
    %dma_start3A_168 = arith.constant 0 : i32
    %dma_start3A_169 = arith.constant 0 : i32
    %dma_start3A_170 = tpu.memref_slice %arg12[%dma_start3A_168, %dma_start3A_169] : memref<640x128xf32, #tpu.memory_space<vmem>> -> memref<80x128xf32, #tpu.memory_space<vmem>>
    %dma_start3A_171 = arith.constant 0 : i32
    %dma_start3A_172 = tpu.memref_slice %arg10[%dma_start3A_167, %dma_start3A_171] : memref<4x80xi32, #tpu.memory_space<vmem>> -> memref<1x80xi32, #tpu.memory_space<vmem>>
    %dma_start3A_173 = tpu.memref_squeeze %dma_start3A_172 : memref<1x80xi32, #tpu.memory_space<vmem>> -> memref<80xi32, #tpu.memory_space<vmem>>
    %dma_start3A_174 = arith.constant 0 : i32
    %dma_start3A_175 = arith.constant 0 : i32
    %dma_start3A_176 = tpu.memref_slice %arg7[%dma_start3A_174, %dma_start3A_175] : memref<20000x128xf32, #tpu.memory_space<hbm>> -> memref<20000x128xf32, #tpu.memory_space<hbm>>
    tpu.enqueue_indirect_dma source(%dma_start3A_170 : memref<80x128xf32, #tpu.memory_space<vmem>>) target(%dma_start3A_176 : memref<20000x128xf32, #tpu.memory_space<hbm>>) offsets(%dma_start3A_173 : memref<80xi32, #tpu.memory_space<vmem>>) semaphore(%arg13 : memref<!tpu.dma_semaphore, #tpu.memory_space<semaphore_mem>>)
    %dma_start3A_177 = arith.constant 0 : i32
    %dma_start3A_178 = arith.constant 320 : i32
    %dma_start3A_179 = arith.constant 0 : i32
    %dma_start3A_180 = tpu.memref_slice %arg12[%dma_start3A_178, %dma_start3A_179] : memref<640x128xf32, #tpu.memory_space<vmem>> -> memref<80x128xf32, #tpu.memory_space<vmem>>
    %dma_start3A_181 = arith.constant 0 : i32
    %dma_start3A_182 = tpu.memref_slice %arg11[%dma_start3A_177, %dma_start3A_181] : memref<4x80xi32, #tpu.memory_space<vmem>> -> memref<1x80xi32, #tpu.memory_space<vmem>>
    %dma_start3A_183 = tpu.memref_squeeze %dma_start3A_182 : memref<1x80xi32, #tpu.memory_space<vmem>> -> memref<80xi32, #tpu.memory_space<vmem>>
    %dma_start3A_184 = arith.constant 0 : i32
    %dma_start3A_185 = arith.constant 0 : i32
    %dma_start3A_186 = tpu.memref_slice %arg7[%dma_start3A_184, %dma_start3A_185] : memref<20000x128xf32, #tpu.memory_space<hbm>> -> memref<20000x128xf32, #tpu.memory_space<hbm>>
    tpu.enqueue_indirect_dma source(%dma_start3A_180 : memref<80x128xf32, #tpu.memory_space<vmem>>) target(%dma_start3A_186 : memref<20000x128xf32, #tpu.memory_space<hbm>>) offsets(%dma_start3A_183 : memref<80xi32, #tpu.memory_space<vmem>>) semaphore(%arg14 : memref<!tpu.dma_semaphore, #tpu.memory_space<semaphore_mem>>)
    %dma_start3A_187 = arith.constant 1 : i32
    %dma_start3A_188 = arith.constant 80 : i32
    %dma_start3A_189 = arith.constant 0 : i32
    %dma_start3A_190 = tpu.memref_slice %arg12[%dma_start3A_188, %dma_start3A_189] : memref<640x128xf32, #tpu.memory_space<vmem>> -> memref<80x128xf32, #tpu.memory_space<vmem>>
    %dma_start3A_191 = arith.constant 0 : i32
    %dma_start3A_192 = tpu.memref_slice %arg10[%dma_start3A_187, %dma_start3A_191] : memref<4x80xi32, #tpu.memory_space<vmem>> -> memref<1x80xi32, #tpu.memory_space<vmem>>
    %dma_start3A_193 = tpu.memref_squeeze %dma_start3A_192 : memref<1x80xi32, #tpu.memory_space<vmem>> -> memref<80xi32, #tpu.memory_space<vmem>>
    %dma_start3A_194 = arith.constant 0 : i32
    %dma_start3A_195 = arith.constant 0 : i32
    %dma_start3A_196 = tpu.memref_slice %arg7[%dma_start3A_194, %dma_start3A_195] : memref<20000x128xf32, #tpu.memory_space<hbm>> -> memref<20000x128xf32, #tpu.memory_space<hbm>>
    tpu.enqueue_indirect_dma source(%dma_start3A_190 : memref<80x128xf32, #tpu.memory_space<vmem>>) target(%dma_start3A_196 : memref<20000x128xf32, #tpu.memory_space<hbm>>) offsets(%dma_start3A_193 : memref<80xi32, #tpu.memory_space<vmem>>) semaphore(%arg13 : memref<!tpu.dma_semaphore, #tpu.memory_space<semaphore_mem>>)
    %dma_start3A_197 = arith.constant 1 : i32
    %dma_start3A_198 = arith.constant 400 : i32
    %dma_start3A_199 = arith.constant 0 : i32
    %dma_start3A_200 = tpu.memref_slice %arg12[%dma_start3A_198, %dma_start3A_199] : memref<640x128xf32, #tpu.memory_space<vmem>> -> memref<80x128xf32, #tpu.memory_space<vmem>>
    %dma_start3A_201 = arith.constant 0 : i32
    %dma_start3A_202 = tpu.memref_slice %arg11[%dma_start3A_197, %dma_start3A_201] : memref<4x80xi32, #tpu.memory_space<vmem>> -> memref<1x80xi32, #tpu.memory_space<vmem>>
    %dma_start3A_203 = tpu.memref_squeeze %dma_start3A_202 : memref<1x80xi32, #tpu.memory_space<vmem>> -> memref<80xi32, #tpu.memory_space<vmem>>
    %dma_start3A_204 = arith.constant 0 : i32
    %dma_start3A_205 = arith.constant 0 : i32
    %dma_start3A_206 = tpu.memref_slice %arg7[%dma_start3A_204, %dma_start3A_205] : memref<20000x128xf32, #tpu.memory_space<hbm>> -> memref<20000x128xf32, #tpu.memory_space<hbm>>
    tpu.enqueue_indirect_dma source(%dma_start3A_200 : memref<80x128xf32, #tpu.memory_space<vmem>>) target(%dma_start3A_206 : memref<20000x128xf32, #tpu.memory_space<hbm>>) offsets(%dma_start3A_203 : memref<80xi32, #tpu.memory_space<vmem>>) semaphore(%arg14 : memref<!tpu.dma_semaphore, #tpu.memory_space<semaphore_mem>>)
    %dma_start3A_207 = arith.constant 2 : i32
    %dma_start3A_208 = arith.constant 160 : i32
    %dma_start3A_209 = arith.constant 0 : i32
    %dma_start3A_210 = tpu.memref_slice %arg12[%dma_start3A_208, %dma_start3A_209] : memref<640x128xf32, #tpu.memory_space<vmem>> -> memref<80x128xf32, #tpu.memory_space<vmem>>
    %dma_start3A_211 = arith.constant 0 : i32
    %dma_start3A_212 = tpu.memref_slice %arg10[%dma_start3A_207, %dma_start3A_211] : memref<4x80xi32, #tpu.memory_space<vmem>> -> memref<1x80xi32, #tpu.memory_space<vmem>>
    %dma_start3A_213 = tpu.memref_squeeze %dma_start3A_212 : memref<1x80xi32, #tpu.memory_space<vmem>> -> memref<80xi32, #tpu.memory_space<vmem>>
    %dma_start3A_214 = arith.constant 0 : i32
    %dma_start3A_215 = arith.constant 0 : i32
    %dma_start3A_216 = tpu.memref_slice %arg7[%dma_start3A_214, %dma_start3A_215] : memref<20000x128xf32, #tpu.memory_space<hbm>> -> memref<20000x128xf32, #tpu.memory_space<hbm>>
    tpu.enqueue_indirect_dma source(%dma_start3A_210 : memref<80x128xf32, #tpu.memory_space<vmem>>) target(%dma_start3A_216 : memref<20000x128xf32, #tpu.memory_space<hbm>>) offsets(%dma_start3A_213 : memref<80xi32, #tpu.memory_space<vmem>>) semaphore(%arg13 : memref<!tpu.dma_semaphore, #tpu.memory_space<semaphore_mem>>)
    %dma_start3A_217 = arith.constant 2 : i32
    %dma_start3A_218 = arith.constant 480 : i32
    %dma_start3A_219 = arith.constant 0 : i32
    %dma_start3A_220 = tpu.memref_slice %arg12[%dma_start3A_218, %dma_start3A_219] : memref<640x128xf32, #tpu.memory_space<vmem>> -> memref<80x128xf32, #tpu.memory_space<vmem>>
    %dma_start3A_221 = arith.constant 0 : i32
    %dma_start3A_222 = tpu.memref_slice %arg11[%dma_start3A_217, %dma_start3A_221] : memref<4x80xi32, #tpu.memory_space<vmem>> -> memref<1x80xi32, #tpu.memory_space<vmem>>
    %dma_start3A_223 = tpu.memref_squeeze %dma_start3A_222 : memref<1x80xi32, #tpu.memory_space<vmem>> -> memref<80xi32, #tpu.memory_space<vmem>>
    %dma_start3A_224 = arith.constant 0 : i32
    %dma_start3A_225 = arith.constant 0 : i32
    %dma_start3A_226 = tpu.memref_slice %arg7[%dma_start3A_224, %dma_start3A_225] : memref<20000x128xf32, #tpu.memory_space<hbm>> -> memref<20000x128xf32, #tpu.memory_space<hbm>>
    tpu.enqueue_indirect_dma source(%dma_start3A_220 : memref<80x128xf32, #tpu.memory_space<vmem>>) target(%dma_start3A_226 : memref<20000x128xf32, #tpu.memory_space<hbm>>) offsets(%dma_start3A_223 : memref<80xi32, #tpu.memory_space<vmem>>) semaphore(%arg14 : memref<!tpu.dma_semaphore, #tpu.memory_space<semaphore_mem>>)
    %dma_start3A_227 = arith.constant 3 : i32
    %dma_start3A_228 = arith.constant 240 : i32
    %dma_start3A_229 = arith.constant 0 : i32
    %dma_start3A_230 = tpu.memref_slice %arg12[%dma_start3A_228, %dma_start3A_229] : memref<640x128xf32, #tpu.memory_space<vmem>> -> memref<80x128xf32, #tpu.memory_space<vmem>>
    %dma_start3A_231 = arith.constant 0 : i32
    %dma_start3A_232 = tpu.memref_slice %arg10[%dma_start3A_227, %dma_start3A_231] : memref<4x80xi32, #tpu.memory_space<vmem>> -> memref<1x80xi32, #tpu.memory_space<vmem>>
    %dma_start3A_233 = tpu.memref_squeeze %dma_start3A_232 : memref<1x80xi32, #tpu.memory_space<vmem>> -> memref<80xi32, #tpu.memory_space<vmem>>
    %dma_start3A_234 = arith.constant 0 : i32
    %dma_start3A_235 = arith.constant 0 : i32
    %dma_start3A_236 = tpu.memref_slice %arg7[%dma_start3A_234, %dma_start3A_235] : memref<20000x128xf32, #tpu.memory_space<hbm>> -> memref<20000x128xf32, #tpu.memory_space<hbm>>
    tpu.enqueue_indirect_dma source(%dma_start3A_230 : memref<80x128xf32, #tpu.memory_space<vmem>>) target(%dma_start3A_236 : memref<20000x128xf32, #tpu.memory_space<hbm>>) offsets(%dma_start3A_233 : memref<80xi32, #tpu.memory_space<vmem>>) semaphore(%arg13 : memref<!tpu.dma_semaphore, #tpu.memory_space<semaphore_mem>>)
    %dma_start3A_237 = arith.constant 3 : i32
    %dma_start3A_238 = arith.constant 560 : i32
    %dma_start3A_239 = arith.constant 0 : i32
    %dma_start3A_240 = tpu.memref_slice %arg12[%dma_start3A_238, %dma_start3A_239] : memref<640x128xf32, #tpu.memory_space<vmem>> -> memref<80x128xf32, #tpu.memory_space<vmem>>
    %dma_start3A_241 = arith.constant 0 : i32
    %dma_start3A_242 = tpu.memref_slice %arg11[%dma_start3A_237, %dma_start3A_241] : memref<4x80xi32, #tpu.memory_space<vmem>> -> memref<1x80xi32, #tpu.memory_space<vmem>>
    %dma_start3A_243 = tpu.memref_squeeze %dma_start3A_242 : memref<1x80xi32, #tpu.memory_space<vmem>> -> memref<80xi32, #tpu.memory_space<vmem>>
    %dma_start3A_244 = arith.constant 0 : i32
    %dma_start3A_245 = arith.constant 0 : i32
    %dma_start3A_246 = tpu.memref_slice %arg7[%dma_start3A_244, %dma_start3A_245] : memref<20000x128xf32, #tpu.memory_space<hbm>> -> memref<20000x128xf32, #tpu.memory_space<hbm>>
    tpu.enqueue_indirect_dma source(%dma_start3A_240 : memref<80x128xf32, #tpu.memory_space<vmem>>) target(%dma_start3A_246 : memref<20000x128xf32, #tpu.memory_space<hbm>>) offsets(%dma_start3A_243 : memref<80xi32, #tpu.memory_space<vmem>>) semaphore(%arg14 : memref<!tpu.dma_semaphore, #tpu.memory_space<semaphore_mem>>)
    %dma_wait3A_247 = arith.constant 0 : i32
    %dma_wait3A_248 = arith.constant 0 : i32
    %dma_wait3A_249 = arith.constant 0 : i32
    %dma_wait3A_250 = tpu.memref_slice %arg12[%dma_wait3A_248, %dma_wait3A_249] : memref<640x128xf32, #tpu.memory_space<vmem>> -> memref<80x128xf32, #tpu.memory_space<vmem>>
    %dma_wait3A_251 = arith.constant 0 : i32
    %dma_wait3A_252 = tpu.memref_slice %arg10[%dma_wait3A_247, %dma_wait3A_251] : memref<4x80xi32, #tpu.memory_space<vmem>> -> memref<1x80xi32, #tpu.memory_space<vmem>>
    %dma_wait3A_253 = tpu.memref_squeeze %dma_wait3A_252 : memref<1x80xi32, #tpu.memory_space<vmem>> -> memref<80xi32, #tpu.memory_space<vmem>>
    %dma_wait3A_254 = arith.constant 0 : i32
    %dma_wait3A_255 = arith.constant 0 : i32
    %dma_wait3A_256 = tpu.memref_slice %arg7[%dma_wait3A_254, %dma_wait3A_255] : memref<20000x128xf32, #tpu.memory_space<hbm>> -> memref<20000x128xf32, #tpu.memory_space<hbm>>
    tpu.wait_indirect_dma semaphore(%arg13 : memref<!tpu.dma_semaphore, #tpu.memory_space<semaphore_mem>>) src(%dma_wait3A_250 : memref<80x128xf32, #tpu.memory_space<vmem>>) dst(%dma_wait3A_256 : memref<20000x128xf32, #tpu.memory_space<hbm>>)
    %dma_wait3A_257 = arith.constant 0 : i32
    %dma_wait3A_258 = arith.constant 320 : i32
    %dma_wait3A_259 = arith.constant 0 : i32
    %dma_wait3A_260 = tpu.memref_slice %arg12[%dma_wait3A_258, %dma_wait3A_259] : memref<640x128xf32, #tpu.memory_space<vmem>> -> memref<80x128xf32, #tpu.memory_space<vmem>>
    %dma_wait3A_261 = arith.constant 0 : i32
    %dma_wait3A_262 = tpu.memref_slice %arg11[%dma_wait3A_257, %dma_wait3A_261] : memref<4x80xi32, #tpu.memory_space<vmem>> -> memref<1x80xi32, #tpu.memory_space<vmem>>
    %dma_wait3A_263 = tpu.memref_squeeze %dma_wait3A_262 : memref<1x80xi32, #tpu.memory_space<vmem>> -> memref<80xi32, #tpu.memory_space<vmem>>
    %dma_wait3A_264 = arith.constant 0 : i32
    %dma_wait3A_265 = arith.constant 0 : i32
    %dma_wait3A_266 = tpu.memref_slice %arg7[%dma_wait3A_264, %dma_wait3A_265] : memref<20000x128xf32, #tpu.memory_space<hbm>> -> memref<20000x128xf32, #tpu.memory_space<hbm>>
    tpu.wait_indirect_dma semaphore(%arg14 : memref<!tpu.dma_semaphore, #tpu.memory_space<semaphore_mem>>) src(%dma_wait3A_260 : memref<80x128xf32, #tpu.memory_space<vmem>>) dst(%dma_wait3A_266 : memref<20000x128xf32, #tpu.memory_space<hbm>>)
    %dma_wait3A_267 = arith.constant 1 : i32
    %dma_wait3A_268 = arith.constant 80 : i32
    %dma_wait3A_269 = arith.constant 0 : i32
    %dma_wait3A_270 = tpu.memref_slice %arg12[%dma_wait3A_268, %dma_wait3A_269] : memref<640x128xf32, #tpu.memory_space<vmem>> -> memref<80x128xf32, #tpu.memory_space<vmem>>
    %dma_wait3A_271 = arith.constant 0 : i32
    %dma_wait3A_272 = tpu.memref_slice %arg10[%dma_wait3A_267, %dma_wait3A_271] : memref<4x80xi32, #tpu.memory_space<vmem>> -> memref<1x80xi32, #tpu.memory_space<vmem>>
    %dma_wait3A_273 = tpu.memref_squeeze %dma_wait3A_272 : memref<1x80xi32, #tpu.memory_space<vmem>> -> memref<80xi32, #tpu.memory_space<vmem>>
    %dma_wait3A_274 = arith.constant 0 : i32
    %dma_wait3A_275 = arith.constant 0 : i32
    %dma_wait3A_276 = tpu.memref_slice %arg7[%dma_wait3A_274, %dma_wait3A_275] : memref<20000x128xf32, #tpu.memory_space<hbm>> -> memref<20000x128xf32, #tpu.memory_space<hbm>>
    tpu.wait_indirect_dma semaphore(%arg13 : memref<!tpu.dma_semaphore, #tpu.memory_space<semaphore_mem>>) src(%dma_wait3A_270 : memref<80x128xf32, #tpu.memory_space<vmem>>) dst(%dma_wait3A_276 : memref<20000x128xf32, #tpu.memory_space<hbm>>)
    %dma_wait3A_277 = arith.constant 1 : i32
    %dma_wait3A_278 = arith.constant 400 : i32
    %dma_wait3A_279 = arith.constant 0 : i32
    %dma_wait3A_280 = tpu.memref_slice %arg12[%dma_wait3A_278, %dma_wait3A_279] : memref<640x128xf32, #tpu.memory_space<vmem>> -> memref<80x128xf32, #tpu.memory_space<vmem>>
    %dma_wait3A_281 = arith.constant 0 : i32
    %dma_wait3A_282 = tpu.memref_slice %arg11[%dma_wait3A_277, %dma_wait3A_281] : memref<4x80xi32, #tpu.memory_space<vmem>> -> memref<1x80xi32, #tpu.memory_space<vmem>>
    %dma_wait3A_283 = tpu.memref_squeeze %dma_wait3A_282 : memref<1x80xi32, #tpu.memory_space<vmem>> -> memref<80xi32, #tpu.memory_space<vmem>>
    %dma_wait3A_284 = arith.constant 0 : i32
    %dma_wait3A_285 = arith.constant 0 : i32
    %dma_wait3A_286 = tpu.memref_slice %arg7[%dma_wait3A_284, %dma_wait3A_285] : memref<20000x128xf32, #tpu.memory_space<hbm>> -> memref<20000x128xf32, #tpu.memory_space<hbm>>
    tpu.wait_indirect_dma semaphore(%arg14 : memref<!tpu.dma_semaphore, #tpu.memory_space<semaphore_mem>>) src(%dma_wait3A_280 : memref<80x128xf32, #tpu.memory_space<vmem>>) dst(%dma_wait3A_286 : memref<20000x128xf32, #tpu.memory_space<hbm>>)
    %dma_wait3A_287 = arith.constant 2 : i32
    %dma_wait3A_288 = arith.constant 160 : i32
    %dma_wait3A_289 = arith.constant 0 : i32
    %dma_wait3A_290 = tpu.memref_slice %arg12[%dma_wait3A_288, %dma_wait3A_289] : memref<640x128xf32, #tpu.memory_space<vmem>> -> memref<80x128xf32, #tpu.memory_space<vmem>>
    %dma_wait3A_291 = arith.constant 0 : i32
    %dma_wait3A_292 = tpu.memref_slice %arg10[%dma_wait3A_287, %dma_wait3A_291] : memref<4x80xi32, #tpu.memory_space<vmem>> -> memref<1x80xi32, #tpu.memory_space<vmem>>
    %dma_wait3A_293 = tpu.memref_squeeze %dma_wait3A_292 : memref<1x80xi32, #tpu.memory_space<vmem>> -> memref<80xi32, #tpu.memory_space<vmem>>
    %dma_wait3A_294 = arith.constant 0 : i32
    %dma_wait3A_295 = arith.constant 0 : i32
    %dma_wait3A_296 = tpu.memref_slice %arg7[%dma_wait3A_294, %dma_wait3A_295] : memref<20000x128xf32, #tpu.memory_space<hbm>> -> memref<20000x128xf32, #tpu.memory_space<hbm>>
    tpu.wait_indirect_dma semaphore(%arg13 : memref<!tpu.dma_semaphore, #tpu.memory_space<semaphore_mem>>) src(%dma_wait3A_290 : memref<80x128xf32, #tpu.memory_space<vmem>>) dst(%dma_wait3A_296 : memref<20000x128xf32, #tpu.memory_space<hbm>>)
    %dma_wait3A_297 = arith.constant 2 : i32
    %dma_wait3A_298 = arith.constant 480 : i32
    %dma_wait3A_299 = arith.constant 0 : i32
    %dma_wait3A_300 = tpu.memref_slice %arg12[%dma_wait3A_298, %dma_wait3A_299] : memref<640x128xf32, #tpu.memory_space<vmem>> -> memref<80x128xf32, #tpu.memory_space<vmem>>
    %dma_wait3A_301 = arith.constant 0 : i32
    %dma_wait3A_302 = tpu.memref_slice %arg11[%dma_wait3A_297, %dma_wait3A_301] : memref<4x80xi32, #tpu.memory_space<vmem>> -> memref<1x80xi32, #tpu.memory_space<vmem>>
    %dma_wait3A_303 = tpu.memref_squeeze %dma_wait3A_302 : memref<1x80xi32, #tpu.memory_space<vmem>> -> memref<80xi32, #tpu.memory_space<vmem>>
    %dma_wait3A_304 = arith.constant 0 : i32
    %dma_wait3A_305 = arith.constant 0 : i32
    %dma_wait3A_306 = tpu.memref_slice %arg7[%dma_wait3A_304, %dma_wait3A_305] : memref<20000x128xf32, #tpu.memory_space<hbm>> -> memref<20000x128xf32, #tpu.memory_space<hbm>>
    tpu.wait_indirect_dma semaphore(%arg14 : memref<!tpu.dma_semaphore, #tpu.memory_space<semaphore_mem>>) src(%dma_wait3A_300 : memref<80x128xf32, #tpu.memory_space<vmem>>) dst(%dma_wait3A_306 : memref<20000x128xf32, #tpu.memory_space<hbm>>)
    %dma_wait3A_307 = arith.constant 3 : i32
    %dma_wait3A_308 = arith.constant 240 : i32
    %dma_wait3A_309 = arith.constant 0 : i32
    %dma_wait3A_310 = tpu.memref_slice %arg12[%dma_wait3A_308, %dma_wait3A_309] : memref<640x128xf32, #tpu.memory_space<vmem>> -> memref<80x128xf32, #tpu.memory_space<vmem>>
    %dma_wait3A_311 = arith.constant 0 : i32
    %dma_wait3A_312 = tpu.memref_slice %arg10[%dma_wait3A_307, %dma_wait3A_311] : memref<4x80xi32, #tpu.memory_space<vmem>> -> memref<1x80xi32, #tpu.memory_space<vmem>>
    %dma_wait3A_313 = tpu.memref_squeeze %dma_wait3A_312 : memref<1x80xi32, #tpu.memory_space<vmem>> -> memref<80xi32, #tpu.memory_space<vmem>>
    %dma_wait3A_314 = arith.constant 0 : i32
    %dma_wait3A_315 = arith.constant 0 : i32
    %dma_wait3A_316 = tpu.memref_slice %arg7[%dma_wait3A_314, %dma_wait3A_315] : memref<20000x128xf32, #tpu.memory_space<hbm>> -> memref<20000x128xf32, #tpu.memory_space<hbm>>
    tpu.wait_indirect_dma semaphore(%arg13 : memref<!tpu.dma_semaphore, #tpu.memory_space<semaphore_mem>>) src(%dma_wait3A_310 : memref<80x128xf32, #tpu.memory_space<vmem>>) dst(%dma_wait3A_316 : memref<20000x128xf32, #tpu.memory_space<hbm>>)
    %dma_wait3A_317 = arith.constant 3 : i32
    %dma_wait3A_318 = arith.constant 560 : i32
    %dma_wait3A_319 = arith.constant 0 : i32
    %dma_wait3A_320 = tpu.memref_slice %arg12[%dma_wait3A_318, %dma_wait3A_319] : memref<640x128xf32, #tpu.memory_space<vmem>> -> memref<80x128xf32, #tpu.memory_space<vmem>>
    %dma_wait3A_321 = arith.constant 0 : i32
    %dma_wait3A_322 = tpu.memref_slice %arg11[%dma_wait3A_317, %dma_wait3A_321] : memref<4x80xi32, #tpu.memory_space<vmem>> -> memref<1x80xi32, #tpu.memory_space<vmem>>
    %dma_wait3A_323 = tpu.memref_squeeze %dma_wait3A_322 : memref<1x80xi32, #tpu.memory_space<vmem>> -> memref<80xi32, #tpu.memory_space<vmem>>
    %dma_wait3A_324 = arith.constant 0 : i32
    %dma_wait3A_325 = arith.constant 0 : i32
    %dma_wait3A_326 = tpu.memref_slice %arg7[%dma_wait3A_324, %dma_wait3A_325] : memref<20000x128xf32, #tpu.memory_space<hbm>> -> memref<20000x128xf32, #tpu.memory_space<hbm>>
    tpu.wait_indirect_dma semaphore(%arg14 : memref<!tpu.dma_semaphore, #tpu.memory_space<semaphore_mem>>) src(%dma_wait3A_320 : memref<80x128xf32, #tpu.memory_space<vmem>>) dst(%dma_wait3A_326 : memref<20000x128xf32, #tpu.memory_space<hbm>>)
    return
  }
}

#map = affine_map<(d0, d1) -> (0)>
#map1 = affine_map<(d0, d1) -> (0, 0)>
module attributes {stable_mosaic.version = 14 : i64} {
  func.func @sc_gather(%arg0: i32, %arg1: i32, %arg2: memref<10240xi32, #tpu.memory_space<hbm>>, %arg3: memref<128x80xi32, #tpu.memory_space<hbm>>, %arg4: memref<128x80xi32, #tpu.memory_space<hbm>>, %arg5: memref<10000xi32, #tpu.memory_space<hbm>>, %arg6: memref<10000xi32, #tpu.memory_space<hbm>>, %arg7: memref<10000x128xf32, #tpu.memory_space<hbm>>, %arg8: memref<20480x128xf32, #tpu.memory_space<hbm>>, %arg9: memref<320xi32, #tpu.memory_space<vmem>>, %arg10: memref<4x80xi32, #tpu.memory_space<vmem>>, %arg11: memref<4x80xi32, #tpu.memory_space<vmem>>, %arg12: memref<320xi32, #tpu.memory_space<vmem>>, %arg13: memref<320xi32, #tpu.memory_space<vmem>>, %arg14: memref<320x128xf32, #tpu.memory_space<vmem>>, %arg15: memref<320x128xf32, #tpu.memory_space<vmem>>, %arg16: memref<!tpu.dma_semaphore, #tpu.memory_space<semaphore_mem>>, %arg17: memref<!tpu.dma_semaphore, #tpu.memory_space<semaphore_mem>>) attributes {dimension_semantics = [#tpu.dimension_semantics<core_parallel>, #tpu.dimension_semantics<subcore_parallel>], iteration_bounds = array<i64: 2, 16>, scalar_prefetch = 0 : i64, scratch_operands = 9 : i64, tpu.core_type = #tpu.core_type<sc_vector_subcore>, window_params = [{transform_indices = #map}, {transform_indices = #map1}, {transform_indices = #map1}, {transform_indices = #map}, {transform_indices = #map}, {transform_indices = #map1}, {transform_indices = #map1}]} {
    %mul3A = arith.constant 2 : i32
    %mul3A_0 = arith.muli %arg1, %mul3A : i32
    %add3A = arith.addi %mul3A_0, %arg0 : i32
    %mul3A_1 = arith.constant 320 : i32
    %mul3A_2 = arith.muli %add3A, %mul3A_1 : i32
    "tpu.region"() ({
      %run_scoped3A = tpu.sem_alloc : memref<!tpu.dma_semaphore, #tpu.memory_space<semaphore_mem>>
      %dma_start3A_185 = tpu.memref_slice %arg2[%mul3A_2] : memref<10240xi32, #tpu.memory_space<hbm>> -> memref<320xi32, #tpu.memory_space<hbm>>
      %dma_start3A_186 = tpu.memref_slice %arg2[%mul3A_2] : memref<10240xi32, #tpu.memory_space<hbm>> -> memref<320xi32, #tpu.memory_space<hbm>>
      tpu.enqueue_dma source(%dma_start3A_186 : memref<320xi32, #tpu.memory_space<hbm>>) target(%arg9 : memref<320xi32, #tpu.memory_space<vmem>>) target_semaphore(%run_scoped3A : memref<!tpu.dma_semaphore, #tpu.memory_space<semaphore_mem>>)
      %dma_wait3A_187 = tpu.memref_slice %arg2[%mul3A_2] : memref<10240xi32, #tpu.memory_space<hbm>> -> memref<320xi32, #tpu.memory_space<hbm>>
      %dma_wait3A_188 = tpu.memref_slice %arg2[%mul3A_2] : memref<10240xi32, #tpu.memory_space<hbm>> -> memref<320xi32, #tpu.memory_space<hbm>>
      tpu.wait_dma2 semaphore(%run_scoped3A : memref<!tpu.dma_semaphore, #tpu.memory_space<semaphore_mem>>) src(%dma_wait3A_188 : memref<320xi32, #tpu.memory_space<hbm>>) dst(%arg9 : memref<320xi32, #tpu.memory_space<vmem>>)
      tpu.yield
    }) : () -> ()
    %mul3A_3 = arith.constant 4 : i32
    %mul3A_4 = arith.muli %add3A, %mul3A_3 : i32
    "tpu.region"() ({
      %run_scoped3A = tpu.sem_alloc : memref<!tpu.dma_semaphore, #tpu.memory_space<semaphore_mem>>
      %dma_start3A_185 = arith.constant 0 : i32
      %dma_start3A_186 = tpu.memref_slice %arg3[%mul3A_4, %dma_start3A_185] : memref<128x80xi32, #tpu.memory_space<hbm>> -> memref<4x80xi32, #tpu.memory_space<hbm>>
      %dma_start3A_187 = arith.constant 0 : i32
      %dma_start3A_188 = tpu.memref_slice %arg3[%mul3A_4, %dma_start3A_187] : memref<128x80xi32, #tpu.memory_space<hbm>> -> memref<4x80xi32, #tpu.memory_space<hbm>>
      tpu.enqueue_dma source(%dma_start3A_188 : memref<4x80xi32, #tpu.memory_space<hbm>>) target(%arg10 : memref<4x80xi32, #tpu.memory_space<vmem>>) target_semaphore(%run_scoped3A : memref<!tpu.dma_semaphore, #tpu.memory_space<semaphore_mem>>)
      %dma_wait3A_189 = arith.constant 0 : i32
      %dma_wait3A_190 = tpu.memref_slice %arg3[%mul3A_4, %dma_wait3A_189] : memref<128x80xi32, #tpu.memory_space<hbm>> -> memref<4x80xi32, #tpu.memory_space<hbm>>
      %dma_wait3A_191 = arith.constant 0 : i32
      %dma_wait3A_192 = tpu.memref_slice %arg3[%mul3A_4, %dma_wait3A_191] : memref<128x80xi32, #tpu.memory_space<hbm>> -> memref<4x80xi32, #tpu.memory_space<hbm>>
      tpu.wait_dma2 semaphore(%run_scoped3A : memref<!tpu.dma_semaphore, #tpu.memory_space<semaphore_mem>>) src(%dma_wait3A_192 : memref<4x80xi32, #tpu.memory_space<hbm>>) dst(%arg10 : memref<4x80xi32, #tpu.memory_space<vmem>>)
      tpu.yield
    }) : () -> ()
    %mul3A_5 = arith.constant 4 : i32
    %mul3A_6 = arith.muli %add3A, %mul3A_5 : i32
    "tpu.region"() ({
      %run_scoped3A = tpu.sem_alloc : memref<!tpu.dma_semaphore, #tpu.memory_space<semaphore_mem>>
      %dma_start3A_185 = arith.constant 0 : i32
      %dma_start3A_186 = tpu.memref_slice %arg4[%mul3A_6, %dma_start3A_185] : memref<128x80xi32, #tpu.memory_space<hbm>> -> memref<4x80xi32, #tpu.memory_space<hbm>>
      %dma_start3A_187 = arith.constant 0 : i32
      %dma_start3A_188 = tpu.memref_slice %arg4[%mul3A_6, %dma_start3A_187] : memref<128x80xi32, #tpu.memory_space<hbm>> -> memref<4x80xi32, #tpu.memory_space<hbm>>
      tpu.enqueue_dma source(%dma_start3A_188 : memref<4x80xi32, #tpu.memory_space<hbm>>) target(%arg11 : memref<4x80xi32, #tpu.memory_space<vmem>>) target_semaphore(%run_scoped3A : memref<!tpu.dma_semaphore, #tpu.memory_space<semaphore_mem>>)
      %dma_wait3A_189 = arith.constant 0 : i32
      %dma_wait3A_190 = tpu.memref_slice %arg4[%mul3A_6, %dma_wait3A_189] : memref<128x80xi32, #tpu.memory_space<hbm>> -> memref<4x80xi32, #tpu.memory_space<hbm>>
      %dma_wait3A_191 = arith.constant 0 : i32
      %dma_wait3A_192 = tpu.memref_slice %arg4[%mul3A_6, %dma_wait3A_191] : memref<128x80xi32, #tpu.memory_space<hbm>> -> memref<4x80xi32, #tpu.memory_space<hbm>>
      tpu.wait_dma2 semaphore(%run_scoped3A : memref<!tpu.dma_semaphore, #tpu.memory_space<semaphore_mem>>) src(%dma_wait3A_192 : memref<4x80xi32, #tpu.memory_space<hbm>>) dst(%arg11 : memref<4x80xi32, #tpu.memory_space<vmem>>)
      tpu.yield
    }) : () -> ()
    %dma_start3A = arith.constant 0 : i32
    %dma_start3A_7 = tpu.memref_slice %arg5[%dma_start3A] : memref<10000xi32, #tpu.memory_space<hbm>> -> memref<10000xi32, #tpu.memory_space<hbm>>
    tpu.enqueue_indirect_dma source(%dma_start3A_7 : memref<10000xi32, #tpu.memory_space<hbm>>) target(%arg12 : memref<320xi32, #tpu.memory_space<vmem>>) offsets(%arg9 : memref<320xi32, #tpu.memory_space<vmem>>) semaphore(%arg16 : memref<!tpu.dma_semaphore, #tpu.memory_space<semaphore_mem>>)
    %dma_start3A_8 = arith.constant 0 : i32
    %dma_start3A_9 = tpu.memref_slice %arg6[%dma_start3A_8] : memref<10000xi32, #tpu.memory_space<hbm>> -> memref<10000xi32, #tpu.memory_space<hbm>>
    tpu.enqueue_indirect_dma source(%dma_start3A_9 : memref<10000xi32, #tpu.memory_space<hbm>>) target(%arg13 : memref<320xi32, #tpu.memory_space<vmem>>) offsets(%arg9 : memref<320xi32, #tpu.memory_space<vmem>>) semaphore(%arg17 : memref<!tpu.dma_semaphore, #tpu.memory_space<semaphore_mem>>)
    %dma_wait3A = arith.constant 0 : i32
    %dma_wait3A_10 = tpu.memref_slice %arg5[%dma_wait3A] : memref<10000xi32, #tpu.memory_space<hbm>> -> memref<10000xi32, #tpu.memory_space<hbm>>
    tpu.wait_indirect_dma semaphore(%arg16 : memref<!tpu.dma_semaphore, #tpu.memory_space<semaphore_mem>>) src(%dma_wait3A_10 : memref<10000xi32, #tpu.memory_space<hbm>>) dst(%arg12 : memref<320xi32, #tpu.memory_space<vmem>>)
    %dma_wait3A_11 = arith.constant 0 : i32
    %dma_wait3A_12 = tpu.memref_slice %arg6[%dma_wait3A_11] : memref<10000xi32, #tpu.memory_space<hbm>> -> memref<10000xi32, #tpu.memory_space<hbm>>
    tpu.wait_indirect_dma semaphore(%arg17 : memref<!tpu.dma_semaphore, #tpu.memory_space<semaphore_mem>>) src(%dma_wait3A_12 : memref<10000xi32, #tpu.memory_space<hbm>>) dst(%arg13 : memref<320xi32, #tpu.memory_space<vmem>>)
    %dma_start3A_13 = arith.constant 0 : i32
    %dma_start3A_14 = arith.constant 0 : i32
    %dma_start3A_15 = tpu.memref_slice %arg7[%dma_start3A_13, %dma_start3A_14] : memref<10000x128xf32, #tpu.memory_space<hbm>> -> memref<10000x128xf32, #tpu.memory_space<hbm>>
    tpu.enqueue_indirect_dma source(%dma_start3A_15 : memref<10000x128xf32, #tpu.memory_space<hbm>>) target(%arg14 : memref<320x128xf32, #tpu.memory_space<vmem>>) offsets(%arg12 : memref<320xi32, #tpu.memory_space<vmem>>) semaphore(%arg16 : memref<!tpu.dma_semaphore, #tpu.memory_space<semaphore_mem>>)
    %dma_start3A_16 = arith.constant 0 : i32
    %dma_start3A_17 = arith.constant 0 : i32
    %dma_start3A_18 = tpu.memref_slice %arg7[%dma_start3A_16, %dma_start3A_17] : memref<10000x128xf32, #tpu.memory_space<hbm>> -> memref<10000x128xf32, #tpu.memory_space<hbm>>
    tpu.enqueue_indirect_dma source(%dma_start3A_18 : memref<10000x128xf32, #tpu.memory_space<hbm>>) target(%arg15 : memref<320x128xf32, #tpu.memory_space<vmem>>) offsets(%arg13 : memref<320xi32, #tpu.memory_space<vmem>>) semaphore(%arg17 : memref<!tpu.dma_semaphore, #tpu.memory_space<semaphore_mem>>)
    %dma_wait3A_19 = arith.constant 0 : i32
    %dma_wait3A_20 = arith.constant 0 : i32
    %dma_wait3A_21 = tpu.memref_slice %arg7[%dma_wait3A_19, %dma_wait3A_20] : memref<10000x128xf32, #tpu.memory_space<hbm>> -> memref<10000x128xf32, #tpu.memory_space<hbm>>
    tpu.wait_indirect_dma semaphore(%arg16 : memref<!tpu.dma_semaphore, #tpu.memory_space<semaphore_mem>>) src(%dma_wait3A_21 : memref<10000x128xf32, #tpu.memory_space<hbm>>) dst(%arg14 : memref<320x128xf32, #tpu.memory_space<vmem>>)
    %dma_wait3A_22 = arith.constant 0 : i32
    %dma_wait3A_23 = arith.constant 0 : i32
    %dma_wait3A_24 = tpu.memref_slice %arg7[%dma_wait3A_22, %dma_wait3A_23] : memref<10000x128xf32, #tpu.memory_space<hbm>> -> memref<10000x128xf32, #tpu.memory_space<hbm>>
    tpu.wait_indirect_dma semaphore(%arg17 : memref<!tpu.dma_semaphore, #tpu.memory_space<semaphore_mem>>) src(%dma_wait3A_24 : memref<10000x128xf32, #tpu.memory_space<hbm>>) dst(%arg15 : memref<320x128xf32, #tpu.memory_space<vmem>>)
    %dma_start3A_25 = arith.constant 0 : i32
    %dma_start3A_26 = arith.constant 0 : i32
    %dma_start3A_27 = arith.constant 0 : i32
    %dma_start3A_28 = tpu.memref_slice %arg14[%dma_start3A_26, %dma_start3A_27] : memref<320x128xf32, #tpu.memory_space<vmem>> -> memref<80x128xf32, #tpu.memory_space<vmem>>
    %dma_start3A_29 = arith.constant 0 : i32
    %dma_start3A_30 = tpu.memref_slice %arg10[%dma_start3A_25, %dma_start3A_29] : memref<4x80xi32, #tpu.memory_space<vmem>> -> memref<1x80xi32, #tpu.memory_space<vmem>>
    %dma_start3A_31 = tpu.memref_squeeze %dma_start3A_30 : memref<1x80xi32, #tpu.memory_space<vmem>> -> memref<80xi32, #tpu.memory_space<vmem>>
    %dma_start3A_32 = arith.constant 0 : i32
    %dma_start3A_33 = arith.constant 0 : i32
    %dma_start3A_34 = tpu.memref_slice %arg8[%dma_start3A_32, %dma_start3A_33] : memref<20480x128xf32, #tpu.memory_space<hbm>> -> memref<20480x128xf32, #tpu.memory_space<hbm>>
    tpu.enqueue_indirect_dma source(%dma_start3A_28 : memref<80x128xf32, #tpu.memory_space<vmem>>) target(%dma_start3A_34 : memref<20480x128xf32, #tpu.memory_space<hbm>>) offsets(%dma_start3A_31 : memref<80xi32, #tpu.memory_space<vmem>>) semaphore(%arg16 : memref<!tpu.dma_semaphore, #tpu.memory_space<semaphore_mem>>)
    %dma_start3A_35 = arith.constant 0 : i32
    %dma_start3A_36 = arith.constant 0 : i32
    %dma_start3A_37 = arith.constant 0 : i32
    %dma_start3A_38 = tpu.memref_slice %arg15[%dma_start3A_36, %dma_start3A_37] : memref<320x128xf32, #tpu.memory_space<vmem>> -> memref<80x128xf32, #tpu.memory_space<vmem>>
    %dma_start3A_39 = arith.constant 0 : i32
    %dma_start3A_40 = tpu.memref_slice %arg11[%dma_start3A_35, %dma_start3A_39] : memref<4x80xi32, #tpu.memory_space<vmem>> -> memref<1x80xi32, #tpu.memory_space<vmem>>
    %dma_start3A_41 = tpu.memref_squeeze %dma_start3A_40 : memref<1x80xi32, #tpu.memory_space<vmem>> -> memref<80xi32, #tpu.memory_space<vmem>>
    %dma_start3A_42 = arith.constant 0 : i32
    %dma_start3A_43 = arith.constant 0 : i32
    %dma_start3A_44 = tpu.memref_slice %arg8[%dma_start3A_42, %dma_start3A_43] : memref<20480x128xf32, #tpu.memory_space<hbm>> -> memref<20480x128xf32, #tpu.memory_space<hbm>>
    tpu.enqueue_indirect_dma source(%dma_start3A_38 : memref<80x128xf32, #tpu.memory_space<vmem>>) target(%dma_start3A_44 : memref<20480x128xf32, #tpu.memory_space<hbm>>) offsets(%dma_start3A_41 : memref<80xi32, #tpu.memory_space<vmem>>) semaphore(%arg17 : memref<!tpu.dma_semaphore, #tpu.memory_space<semaphore_mem>>)
    %dma_start3A_45 = arith.constant 1 : i32
    %dma_start3A_46 = arith.constant 80 : i32
    %dma_start3A_47 = arith.constant 0 : i32
    %dma_start3A_48 = tpu.memref_slice %arg14[%dma_start3A_46, %dma_start3A_47] : memref<320x128xf32, #tpu.memory_space<vmem>> -> memref<80x128xf32, #tpu.memory_space<vmem>>
    %dma_start3A_49 = arith.constant 0 : i32
    %dma_start3A_50 = tpu.memref_slice %arg10[%dma_start3A_45, %dma_start3A_49] : memref<4x80xi32, #tpu.memory_space<vmem>> -> memref<1x80xi32, #tpu.memory_space<vmem>>
    %dma_start3A_51 = tpu.memref_squeeze %dma_start3A_50 : memref<1x80xi32, #tpu.memory_space<vmem>> -> memref<80xi32, #tpu.memory_space<vmem>>
    %dma_start3A_52 = arith.constant 0 : i32
    %dma_start3A_53 = arith.constant 0 : i32
    %dma_start3A_54 = tpu.memref_slice %arg8[%dma_start3A_52, %dma_start3A_53] : memref<20480x128xf32, #tpu.memory_space<hbm>> -> memref<20480x128xf32, #tpu.memory_space<hbm>>
    tpu.enqueue_indirect_dma source(%dma_start3A_48 : memref<80x128xf32, #tpu.memory_space<vmem>>) target(%dma_start3A_54 : memref<20480x128xf32, #tpu.memory_space<hbm>>) offsets(%dma_start3A_51 : memref<80xi32, #tpu.memory_space<vmem>>) semaphore(%arg16 : memref<!tpu.dma_semaphore, #tpu.memory_space<semaphore_mem>>)
    %dma_start3A_55 = arith.constant 1 : i32
    %dma_start3A_56 = arith.constant 80 : i32
    %dma_start3A_57 = arith.constant 0 : i32
    %dma_start3A_58 = tpu.memref_slice %arg15[%dma_start3A_56, %dma_start3A_57] : memref<320x128xf32, #tpu.memory_space<vmem>> -> memref<80x128xf32, #tpu.memory_space<vmem>>
    %dma_start3A_59 = arith.constant 0 : i32
    %dma_start3A_60 = tpu.memref_slice %arg11[%dma_start3A_55, %dma_start3A_59] : memref<4x80xi32, #tpu.memory_space<vmem>> -> memref<1x80xi32, #tpu.memory_space<vmem>>
    %dma_start3A_61 = tpu.memref_squeeze %dma_start3A_60 : memref<1x80xi32, #tpu.memory_space<vmem>> -> memref<80xi32, #tpu.memory_space<vmem>>
    %dma_start3A_62 = arith.constant 0 : i32
    %dma_start3A_63 = arith.constant 0 : i32
    %dma_start3A_64 = tpu.memref_slice %arg8[%dma_start3A_62, %dma_start3A_63] : memref<20480x128xf32, #tpu.memory_space<hbm>> -> memref<20480x128xf32, #tpu.memory_space<hbm>>
    tpu.enqueue_indirect_dma source(%dma_start3A_58 : memref<80x128xf32, #tpu.memory_space<vmem>>) target(%dma_start3A_64 : memref<20480x128xf32, #tpu.memory_space<hbm>>) offsets(%dma_start3A_61 : memref<80xi32, #tpu.memory_space<vmem>>) semaphore(%arg17 : memref<!tpu.dma_semaphore, #tpu.memory_space<semaphore_mem>>)
    %dma_start3A_65 = arith.constant 2 : i32
    %dma_start3A_66 = arith.constant 160 : i32
    %dma_start3A_67 = arith.constant 0 : i32
    %dma_start3A_68 = tpu.memref_slice %arg14[%dma_start3A_66, %dma_start3A_67] : memref<320x128xf32, #tpu.memory_space<vmem>> -> memref<80x128xf32, #tpu.memory_space<vmem>>
    %dma_start3A_69 = arith.constant 0 : i32
    %dma_start3A_70 = tpu.memref_slice %arg10[%dma_start3A_65, %dma_start3A_69] : memref<4x80xi32, #tpu.memory_space<vmem>> -> memref<1x80xi32, #tpu.memory_space<vmem>>
    %dma_start3A_71 = tpu.memref_squeeze %dma_start3A_70 : memref<1x80xi32, #tpu.memory_space<vmem>> -> memref<80xi32, #tpu.memory_space<vmem>>
    %dma_start3A_72 = arith.constant 0 : i32
    %dma_start3A_73 = arith.constant 0 : i32
    %dma_start3A_74 = tpu.memref_slice %arg8[%dma_start3A_72, %dma_start3A_73] : memref<20480x128xf32, #tpu.memory_space<hbm>> -> memref<20480x128xf32, #tpu.memory_space<hbm>>
    tpu.enqueue_indirect_dma source(%dma_start3A_68 : memref<80x128xf32, #tpu.memory_space<vmem>>) target(%dma_start3A_74 : memref<20480x128xf32, #tpu.memory_space<hbm>>) offsets(%dma_start3A_71 : memref<80xi32, #tpu.memory_space<vmem>>) semaphore(%arg16 : memref<!tpu.dma_semaphore, #tpu.memory_space<semaphore_mem>>)
    %dma_start3A_75 = arith.constant 2 : i32
    %dma_start3A_76 = arith.constant 160 : i32
    %dma_start3A_77 = arith.constant 0 : i32
    %dma_start3A_78 = tpu.memref_slice %arg15[%dma_start3A_76, %dma_start3A_77] : memref<320x128xf32, #tpu.memory_space<vmem>> -> memref<80x128xf32, #tpu.memory_space<vmem>>
    %dma_start3A_79 = arith.constant 0 : i32
    %dma_start3A_80 = tpu.memref_slice %arg11[%dma_start3A_75, %dma_start3A_79] : memref<4x80xi32, #tpu.memory_space<vmem>> -> memref<1x80xi32, #tpu.memory_space<vmem>>
    %dma_start3A_81 = tpu.memref_squeeze %dma_start3A_80 : memref<1x80xi32, #tpu.memory_space<vmem>> -> memref<80xi32, #tpu.memory_space<vmem>>
    %dma_start3A_82 = arith.constant 0 : i32
    %dma_start3A_83 = arith.constant 0 : i32
    %dma_start3A_84 = tpu.memref_slice %arg8[%dma_start3A_82, %dma_start3A_83] : memref<20480x128xf32, #tpu.memory_space<hbm>> -> memref<20480x128xf32, #tpu.memory_space<hbm>>
    tpu.enqueue_indirect_dma source(%dma_start3A_78 : memref<80x128xf32, #tpu.memory_space<vmem>>) target(%dma_start3A_84 : memref<20480x128xf32, #tpu.memory_space<hbm>>) offsets(%dma_start3A_81 : memref<80xi32, #tpu.memory_space<vmem>>) semaphore(%arg17 : memref<!tpu.dma_semaphore, #tpu.memory_space<semaphore_mem>>)
    %dma_start3A_85 = arith.constant 3 : i32
    %dma_start3A_86 = arith.constant 240 : i32
    %dma_start3A_87 = arith.constant 0 : i32
    %dma_start3A_88 = tpu.memref_slice %arg14[%dma_start3A_86, %dma_start3A_87] : memref<320x128xf32, #tpu.memory_space<vmem>> -> memref<80x128xf32, #tpu.memory_space<vmem>>
    %dma_start3A_89 = arith.constant 0 : i32
    %dma_start3A_90 = tpu.memref_slice %arg10[%dma_start3A_85, %dma_start3A_89] : memref<4x80xi32, #tpu.memory_space<vmem>> -> memref<1x80xi32, #tpu.memory_space<vmem>>
    %dma_start3A_91 = tpu.memref_squeeze %dma_start3A_90 : memref<1x80xi32, #tpu.memory_space<vmem>> -> memref<80xi32, #tpu.memory_space<vmem>>
    %dma_start3A_92 = arith.constant 0 : i32
    %dma_start3A_93 = arith.constant 0 : i32
    %dma_start3A_94 = tpu.memref_slice %arg8[%dma_start3A_92, %dma_start3A_93] : memref<20480x128xf32, #tpu.memory_space<hbm>> -> memref<20480x128xf32, #tpu.memory_space<hbm>>
    tpu.enqueue_indirect_dma source(%dma_start3A_88 : memref<80x128xf32, #tpu.memory_space<vmem>>) target(%dma_start3A_94 : memref<20480x128xf32, #tpu.memory_space<hbm>>) offsets(%dma_start3A_91 : memref<80xi32, #tpu.memory_space<vmem>>) semaphore(%arg16 : memref<!tpu.dma_semaphore, #tpu.memory_space<semaphore_mem>>)
    %dma_start3A_95 = arith.constant 3 : i32
    %dma_start3A_96 = arith.constant 240 : i32
    %dma_start3A_97 = arith.constant 0 : i32
    %dma_start3A_98 = tpu.memref_slice %arg15[%dma_start3A_96, %dma_start3A_97] : memref<320x128xf32, #tpu.memory_space<vmem>> -> memref<80x128xf32, #tpu.memory_space<vmem>>
    %dma_start3A_99 = arith.constant 0 : i32
    %dma_start3A_100 = tpu.memref_slice %arg11[%dma_start3A_95, %dma_start3A_99] : memref<4x80xi32, #tpu.memory_space<vmem>> -> memref<1x80xi32, #tpu.memory_space<vmem>>
    %dma_start3A_101 = tpu.memref_squeeze %dma_start3A_100 : memref<1x80xi32, #tpu.memory_space<vmem>> -> memref<80xi32, #tpu.memory_space<vmem>>
    %dma_start3A_102 = arith.constant 0 : i32
    %dma_start3A_103 = arith.constant 0 : i32
    %dma_start3A_104 = tpu.memref_slice %arg8[%dma_start3A_102, %dma_start3A_103] : memref<20480x128xf32, #tpu.memory_space<hbm>> -> memref<20480x128xf32, #tpu.memory_space<hbm>>
    tpu.enqueue_indirect_dma source(%dma_start3A_98 : memref<80x128xf32, #tpu.memory_space<vmem>>) target(%dma_start3A_104 : memref<20480x128xf32, #tpu.memory_space<hbm>>) offsets(%dma_start3A_101 : memref<80xi32, #tpu.memory_space<vmem>>) semaphore(%arg17 : memref<!tpu.dma_semaphore, #tpu.memory_space<semaphore_mem>>)
    %dma_wait3A_105 = arith.constant 0 : i32
    %dma_wait3A_106 = arith.constant 0 : i32
    %dma_wait3A_107 = arith.constant 0 : i32
    %dma_wait3A_108 = tpu.memref_slice %arg14[%dma_wait3A_106, %dma_wait3A_107] : memref<320x128xf32, #tpu.memory_space<vmem>> -> memref<80x128xf32, #tpu.memory_space<vmem>>
    %dma_wait3A_109 = arith.constant 0 : i32
    %dma_wait3A_110 = tpu.memref_slice %arg10[%dma_wait3A_105, %dma_wait3A_109] : memref<4x80xi32, #tpu.memory_space<vmem>> -> memref<1x80xi32, #tpu.memory_space<vmem>>
    %dma_wait3A_111 = tpu.memref_squeeze %dma_wait3A_110 : memref<1x80xi32, #tpu.memory_space<vmem>> -> memref<80xi32, #tpu.memory_space<vmem>>
    %dma_wait3A_112 = arith.constant 0 : i32
    %dma_wait3A_113 = arith.constant 0 : i32
    %dma_wait3A_114 = tpu.memref_slice %arg8[%dma_wait3A_112, %dma_wait3A_113] : memref<20480x128xf32, #tpu.memory_space<hbm>> -> memref<20480x128xf32, #tpu.memory_space<hbm>>
    tpu.wait_indirect_dma semaphore(%arg16 : memref<!tpu.dma_semaphore, #tpu.memory_space<semaphore_mem>>) src(%dma_wait3A_108 : memref<80x128xf32, #tpu.memory_space<vmem>>) dst(%dma_wait3A_114 : memref<20480x128xf32, #tpu.memory_space<hbm>>)
    %dma_wait3A_115 = arith.constant 0 : i32
    %dma_wait3A_116 = arith.constant 0 : i32
    %dma_wait3A_117 = arith.constant 0 : i32
    %dma_wait3A_118 = tpu.memref_slice %arg15[%dma_wait3A_116, %dma_wait3A_117] : memref<320x128xf32, #tpu.memory_space<vmem>> -> memref<80x128xf32, #tpu.memory_space<vmem>>
    %dma_wait3A_119 = arith.constant 0 : i32
    %dma_wait3A_120 = tpu.memref_slice %arg11[%dma_wait3A_115, %dma_wait3A_119] : memref<4x80xi32, #tpu.memory_space<vmem>> -> memref<1x80xi32, #tpu.memory_space<vmem>>
    %dma_wait3A_121 = tpu.memref_squeeze %dma_wait3A_120 : memref<1x80xi32, #tpu.memory_space<vmem>> -> memref<80xi32, #tpu.memory_space<vmem>>
    %dma_wait3A_122 = arith.constant 0 : i32
    %dma_wait3A_123 = arith.constant 0 : i32
    %dma_wait3A_124 = tpu.memref_slice %arg8[%dma_wait3A_122, %dma_wait3A_123] : memref<20480x128xf32, #tpu.memory_space<hbm>> -> memref<20480x128xf32, #tpu.memory_space<hbm>>
    tpu.wait_indirect_dma semaphore(%arg17 : memref<!tpu.dma_semaphore, #tpu.memory_space<semaphore_mem>>) src(%dma_wait3A_118 : memref<80x128xf32, #tpu.memory_space<vmem>>) dst(%dma_wait3A_124 : memref<20480x128xf32, #tpu.memory_space<hbm>>)
    %dma_wait3A_125 = arith.constant 1 : i32
    %dma_wait3A_126 = arith.constant 80 : i32
    %dma_wait3A_127 = arith.constant 0 : i32
    %dma_wait3A_128 = tpu.memref_slice %arg14[%dma_wait3A_126, %dma_wait3A_127] : memref<320x128xf32, #tpu.memory_space<vmem>> -> memref<80x128xf32, #tpu.memory_space<vmem>>
    %dma_wait3A_129 = arith.constant 0 : i32
    %dma_wait3A_130 = tpu.memref_slice %arg10[%dma_wait3A_125, %dma_wait3A_129] : memref<4x80xi32, #tpu.memory_space<vmem>> -> memref<1x80xi32, #tpu.memory_space<vmem>>
    %dma_wait3A_131 = tpu.memref_squeeze %dma_wait3A_130 : memref<1x80xi32, #tpu.memory_space<vmem>> -> memref<80xi32, #tpu.memory_space<vmem>>
    %dma_wait3A_132 = arith.constant 0 : i32
    %dma_wait3A_133 = arith.constant 0 : i32
    %dma_wait3A_134 = tpu.memref_slice %arg8[%dma_wait3A_132, %dma_wait3A_133] : memref<20480x128xf32, #tpu.memory_space<hbm>> -> memref<20480x128xf32, #tpu.memory_space<hbm>>
    tpu.wait_indirect_dma semaphore(%arg16 : memref<!tpu.dma_semaphore, #tpu.memory_space<semaphore_mem>>) src(%dma_wait3A_128 : memref<80x128xf32, #tpu.memory_space<vmem>>) dst(%dma_wait3A_134 : memref<20480x128xf32, #tpu.memory_space<hbm>>)
    %dma_wait3A_135 = arith.constant 1 : i32
    %dma_wait3A_136 = arith.constant 80 : i32
    %dma_wait3A_137 = arith.constant 0 : i32
    %dma_wait3A_138 = tpu.memref_slice %arg15[%dma_wait3A_136, %dma_wait3A_137] : memref<320x128xf32, #tpu.memory_space<vmem>> -> memref<80x128xf32, #tpu.memory_space<vmem>>
    %dma_wait3A_139 = arith.constant 0 : i32
    %dma_wait3A_140 = tpu.memref_slice %arg11[%dma_wait3A_135, %dma_wait3A_139] : memref<4x80xi32, #tpu.memory_space<vmem>> -> memref<1x80xi32, #tpu.memory_space<vmem>>
    %dma_wait3A_141 = tpu.memref_squeeze %dma_wait3A_140 : memref<1x80xi32, #tpu.memory_space<vmem>> -> memref<80xi32, #tpu.memory_space<vmem>>
    %dma_wait3A_142 = arith.constant 0 : i32
    %dma_wait3A_143 = arith.constant 0 : i32
    %dma_wait3A_144 = tpu.memref_slice %arg8[%dma_wait3A_142, %dma_wait3A_143] : memref<20480x128xf32, #tpu.memory_space<hbm>> -> memref<20480x128xf32, #tpu.memory_space<hbm>>
    tpu.wait_indirect_dma semaphore(%arg17 : memref<!tpu.dma_semaphore, #tpu.memory_space<semaphore_mem>>) src(%dma_wait3A_138 : memref<80x128xf32, #tpu.memory_space<vmem>>) dst(%dma_wait3A_144 : memref<20480x128xf32, #tpu.memory_space<hbm>>)
    %dma_wait3A_145 = arith.constant 2 : i32
    %dma_wait3A_146 = arith.constant 160 : i32
    %dma_wait3A_147 = arith.constant 0 : i32
    %dma_wait3A_148 = tpu.memref_slice %arg14[%dma_wait3A_146, %dma_wait3A_147] : memref<320x128xf32, #tpu.memory_space<vmem>> -> memref<80x128xf32, #tpu.memory_space<vmem>>
    %dma_wait3A_149 = arith.constant 0 : i32
    %dma_wait3A_150 = tpu.memref_slice %arg10[%dma_wait3A_145, %dma_wait3A_149] : memref<4x80xi32, #tpu.memory_space<vmem>> -> memref<1x80xi32, #tpu.memory_space<vmem>>
    %dma_wait3A_151 = tpu.memref_squeeze %dma_wait3A_150 : memref<1x80xi32, #tpu.memory_space<vmem>> -> memref<80xi32, #tpu.memory_space<vmem>>
    %dma_wait3A_152 = arith.constant 0 : i32
    %dma_wait3A_153 = arith.constant 0 : i32
    %dma_wait3A_154 = tpu.memref_slice %arg8[%dma_wait3A_152, %dma_wait3A_153] : memref<20480x128xf32, #tpu.memory_space<hbm>> -> memref<20480x128xf32, #tpu.memory_space<hbm>>
    tpu.wait_indirect_dma semaphore(%arg16 : memref<!tpu.dma_semaphore, #tpu.memory_space<semaphore_mem>>) src(%dma_wait3A_148 : memref<80x128xf32, #tpu.memory_space<vmem>>) dst(%dma_wait3A_154 : memref<20480x128xf32, #tpu.memory_space<hbm>>)
    %dma_wait3A_155 = arith.constant 2 : i32
    %dma_wait3A_156 = arith.constant 160 : i32
    %dma_wait3A_157 = arith.constant 0 : i32
    %dma_wait3A_158 = tpu.memref_slice %arg15[%dma_wait3A_156, %dma_wait3A_157] : memref<320x128xf32, #tpu.memory_space<vmem>> -> memref<80x128xf32, #tpu.memory_space<vmem>>
    %dma_wait3A_159 = arith.constant 0 : i32
    %dma_wait3A_160 = tpu.memref_slice %arg11[%dma_wait3A_155, %dma_wait3A_159] : memref<4x80xi32, #tpu.memory_space<vmem>> -> memref<1x80xi32, #tpu.memory_space<vmem>>
    %dma_wait3A_161 = tpu.memref_squeeze %dma_wait3A_160 : memref<1x80xi32, #tpu.memory_space<vmem>> -> memref<80xi32, #tpu.memory_space<vmem>>
    %dma_wait3A_162 = arith.constant 0 : i32
    %dma_wait3A_163 = arith.constant 0 : i32
    %dma_wait3A_164 = tpu.memref_slice %arg8[%dma_wait3A_162, %dma_wait3A_163] : memref<20480x128xf32, #tpu.memory_space<hbm>> -> memref<20480x128xf32, #tpu.memory_space<hbm>>
    tpu.wait_indirect_dma semaphore(%arg17 : memref<!tpu.dma_semaphore, #tpu.memory_space<semaphore_mem>>) src(%dma_wait3A_158 : memref<80x128xf32, #tpu.memory_space<vmem>>) dst(%dma_wait3A_164 : memref<20480x128xf32, #tpu.memory_space<hbm>>)
    %dma_wait3A_165 = arith.constant 3 : i32
    %dma_wait3A_166 = arith.constant 240 : i32
    %dma_wait3A_167 = arith.constant 0 : i32
    %dma_wait3A_168 = tpu.memref_slice %arg14[%dma_wait3A_166, %dma_wait3A_167] : memref<320x128xf32, #tpu.memory_space<vmem>> -> memref<80x128xf32, #tpu.memory_space<vmem>>
    %dma_wait3A_169 = arith.constant 0 : i32
    %dma_wait3A_170 = tpu.memref_slice %arg10[%dma_wait3A_165, %dma_wait3A_169] : memref<4x80xi32, #tpu.memory_space<vmem>> -> memref<1x80xi32, #tpu.memory_space<vmem>>
    %dma_wait3A_171 = tpu.memref_squeeze %dma_wait3A_170 : memref<1x80xi32, #tpu.memory_space<vmem>> -> memref<80xi32, #tpu.memory_space<vmem>>
    %dma_wait3A_172 = arith.constant 0 : i32
    %dma_wait3A_173 = arith.constant 0 : i32
    %dma_wait3A_174 = tpu.memref_slice %arg8[%dma_wait3A_172, %dma_wait3A_173] : memref<20480x128xf32, #tpu.memory_space<hbm>> -> memref<20480x128xf32, #tpu.memory_space<hbm>>
    tpu.wait_indirect_dma semaphore(%arg16 : memref<!tpu.dma_semaphore, #tpu.memory_space<semaphore_mem>>) src(%dma_wait3A_168 : memref<80x128xf32, #tpu.memory_space<vmem>>) dst(%dma_wait3A_174 : memref<20480x128xf32, #tpu.memory_space<hbm>>)
    %dma_wait3A_175 = arith.constant 3 : i32
    %dma_wait3A_176 = arith.constant 240 : i32
    %dma_wait3A_177 = arith.constant 0 : i32
    %dma_wait3A_178 = tpu.memref_slice %arg15[%dma_wait3A_176, %dma_wait3A_177] : memref<320x128xf32, #tpu.memory_space<vmem>> -> memref<80x128xf32, #tpu.memory_space<vmem>>
    %dma_wait3A_179 = arith.constant 0 : i32
    %dma_wait3A_180 = tpu.memref_slice %arg11[%dma_wait3A_175, %dma_wait3A_179] : memref<4x80xi32, #tpu.memory_space<vmem>> -> memref<1x80xi32, #tpu.memory_space<vmem>>
    %dma_wait3A_181 = tpu.memref_squeeze %dma_wait3A_180 : memref<1x80xi32, #tpu.memory_space<vmem>> -> memref<80xi32, #tpu.memory_space<vmem>>
    %dma_wait3A_182 = arith.constant 0 : i32
    %dma_wait3A_183 = arith.constant 0 : i32
    %dma_wait3A_184 = tpu.memref_slice %arg8[%dma_wait3A_182, %dma_wait3A_183] : memref<20480x128xf32, #tpu.memory_space<hbm>> -> memref<20480x128xf32, #tpu.memory_space<hbm>>
    tpu.wait_indirect_dma semaphore(%arg17 : memref<!tpu.dma_semaphore, #tpu.memory_space<semaphore_mem>>) src(%dma_wait3A_178 : memref<80x128xf32, #tpu.memory_space<vmem>>) dst(%dma_wait3A_184 : memref<20480x128xf32, #tpu.memory_space<hbm>>)
    return
  }
}

module attributes {stable_mosaic.version = 14 : i64} {
  func.func @_grouped_matmul_body(%arg0: i32, %arg1: memref<1x1x2xi32, #tpu.memory_space<smem>>, %arg2: memref<1x512x1xi32, #tpu.memory_space<vmem>>, %arg3: memref<512x128xf32, #tpu.memory_space<vmem>>, %arg4: memref<169x128x128xf32, #tpu.memory_space<vmem>>, %arg5: memref<512x128xf32, #tpu.memory_space<vmem>>) attributes {dimension_semantics = [#tpu.dimension_semantics<arbitrary>], iteration_bounds = array<i64: 40>, scalar_prefetch = 0 : i64, scratch_operands = 0 : i64, tpu.core_type = #tpu.core_type<tc>, window_params = [{transform_indices = @transform_0, window_bounds = array<i64: 1, 1, 2>}, {transform_indices = @transform_1, window_bounds = array<i64: 1, 512, 1>}, {transform_indices = @transform_2, window_bounds = array<i64: 512, 128>}, {pipeline_mode = #tpu.pipeline_mode<synchronous>, transform_indices = @transform_3, window_bounds = array<i64: 169, 128, 128>}, {transform_indices = @transform_4, window_bounds = array<i64: 512, 128>}]} {
    %broadcast_in_dim3A = arith.constant 0.000000e+00 : f32
    %broadcast_in_dim3A_0 = vector.broadcast %broadcast_in_dim3A : f32 to vector<512x128xf32>
    %swap3A = arith.constant 0 : index
    %swap3A_1 = arith.constant 0 : index
    %swap3A_2 = vector.load %arg5[%swap3A, %swap3A_1] : memref<512x128xf32, #tpu.memory_space<vmem>>, vector<512x128xf32>
    tpu.vector_store %arg5[%swap3A, %swap3A_1], %broadcast_in_dim3A_0 {strides = array<i32>} : memref<512x128xf32, #tpu.memory_space<vmem>>, vector<512x128xf32>,
    %get3A = arith.constant 0 : index
    %get3A_3 = arith.constant 0 : index
    %get3A_4 = arith.constant 0 : index
    %get3A_5 = memref.load %arg1[%get3A, %get3A_3, %get3A_4] : memref<1x1x2xi32, #tpu.memory_space<smem>>
    %get3A_6 = arith.constant 0 : index
    %get3A_7 = arith.constant 0 : index
    %get3A_8 = arith.constant 1 : index
    %get3A_9 = memref.load %arg1[%get3A_6, %get3A_7, %get3A_8] : memref<1x1x2xi32, #tpu.memory_space<smem>>
    %add3A = arith.constant 1 : i32
    %add3A_10 = arith.addi %get3A_9, %add3A : i32
    %while3A = arith.constant 0 : i32
    %while3A_11 = arith.subi %add3A_10, %get3A_5 : i32
    %while3A_12 = arith.addi %get3A_5, %while3A_11 : i32
    %while3A_13 = arith.constant 1 : i32
    %while3A_14 = arith.divsi %while3A_11, %while3A_13 : i32
    %while3A_15 = arith.muli %while3A_14, %while3A_13 : i32
    %while3A_16 = arith.addi %get3A_5, %while3A_15 : i32
    %while3A_17 = arith.constant 1 : i32
    scf.for %while3A_27 = %get3A_5 to %while3A_16 step %while3A_17  : i32 {
      %get3A_28 = arith.constant 0 : index
      %get3A_29 = arith.constant 0 : index
      %get3A_30 = arith.constant 0 : index
      %get3A_31 = vector.load %arg2[%get3A_28, %get3A_29, %get3A_30] : memref<1x512x1xi32, #tpu.memory_space<vmem>>, vector<1x512x1xi32>
      %get3A_32 = vector.shape_cast %get3A_31 : vector<1x512x1xi32> to vector<512x1xi32>
      %eq3A = vector.broadcast %while3A_27 : i32 to vector<512x1xi32>
      %eq3A_33 = arith.cmpi eq, %get3A_32, %eq3A : vector<512x1xi32>
      %convert_element_type3A = arith.extui %eq3A_33 : vector<512x1xi1> to vector<512x1xi32>
      %convert_element_type3A_34 = arith.sitofp %convert_element_type3A : vector<512x1xi32> to vector<512x1xf32>
      %get3A_35 = arith.constant 0 : index
      %get3A_36 = arith.constant 0 : index
      %get3A_37 = vector.load %arg5[%get3A_35, %get3A_36] : memref<512x128xf32, #tpu.memory_space<vmem>>, vector<512x128xf32>
      %get3A_38 = arith.constant 0 : index
      %get3A_39 = arith.constant 0 : index
      %get3A_40 = vector.load %arg3[%get3A_38, %get3A_39] : memref<512x128xf32, #tpu.memory_space<vmem>>, vector<512x128xf32>
      %mul3A = vector.broadcast %convert_element_type3A_34 : vector<512x1xf32> to vector<512x128xf32>
      %mul3A_41 = arith.mulf %get3A_40, %mul3A : vector<512x128xf32>
      %get3A_42 = arith.index_cast %while3A_27 : i32 to index
      %get3A_43 = arith.constant 0 : index
      %get3A_44 = arith.constant 0 : index
      %get3A_45 = vector.load %arg4[%get3A_42, %get3A_43, %get3A_44] : memref<169x128x128xf32, #tpu.memory_space<vmem>>, vector<1x128x128xf32>
      %get3A_46 = vector.shape_cast %get3A_45 : vector<1x128x128xf32> to vector<128x128xf32>
      %dot_general3A = arith.constant dense<0.000000e+00> : vector<512x128xf32>
      %dot_general3A_47 = tpu.matmul %mul3A_41, %get3A_46, %dot_general3A {dimension_numbers = #tpu.dot_dimension_numbers<[1], [0], [0], [1], [0, 0, 1, 1], [], []>, transpose_lhs_hint = false} : vector<512x128xf32>, vector<128x128xf32>, vector<512x128xf32> -> vector<512x128xf32>
      %add3A_48 = arith.addf %get3A_37, %dot_general3A_47 : vector<512x128xf32>
      %swap3A_49 = arith.constant 0 : index
      %swap3A_50 = arith.constant 0 : index
      %swap3A_51 = vector.load %arg5[%swap3A_49, %swap3A_50] : memref<512x128xf32, #tpu.memory_space<vmem>>, vector<512x128xf32>
      tpu.vector_store %arg5[%swap3A_49, %swap3A_50], %add3A_48 {strides = array<i32>} : memref<512x128xf32, #tpu.memory_space<vmem>>, vector<512x128xf32>,
    }
    %while3A_18 = arith.constant 1 : i32
    scf.for %while3A_27 = %while3A_16 to %while3A_12 step %while3A_18  : i32 {
      %get3A_28 = arith.constant 0 : index
      %get3A_29 = arith.constant 0 : index
      %get3A_30 = arith.constant 0 : index
      %get3A_31 = vector.load %arg2[%get3A_28, %get3A_29, %get3A_30] : memref<1x512x1xi32, #tpu.memory_space<vmem>>, vector<1x512x1xi32>
      %get3A_32 = vector.shape_cast %get3A_31 : vector<1x512x1xi32> to vector<512x1xi32>
      %eq3A = vector.broadcast %while3A_27 : i32 to vector<512x1xi32>
      %eq3A_33 = arith.cmpi eq, %get3A_32, %eq3A : vector<512x1xi32>
      %convert_element_type3A = arith.extui %eq3A_33 : vector<512x1xi1> to vector<512x1xi32>
      %convert_element_type3A_34 = arith.sitofp %convert_element_type3A : vector<512x1xi32> to vector<512x1xf32>
      %get3A_35 = arith.constant 0 : index
      %get3A_36 = arith.constant 0 : index
      %get3A_37 = vector.load %arg5[%get3A_35, %get3A_36] : memref<512x128xf32, #tpu.memory_space<vmem>>, vector<512x128xf32>
      %get3A_38 = arith.constant 0 : index
      %get3A_39 = arith.constant 0 : index
      %get3A_40 = vector.load %arg3[%get3A_38, %get3A_39] : memref<512x128xf32, #tpu.memory_space<vmem>>, vector<512x128xf32>
      %mul3A = vector.broadcast %convert_element_type3A_34 : vector<512x1xf32> to vector<512x128xf32>
      %mul3A_41 = arith.mulf %get3A_40, %mul3A : vector<512x128xf32>
      %get3A_42 = arith.index_cast %while3A_27 : i32 to index
      %get3A_43 = arith.constant 0 : index
      %get3A_44 = arith.constant 0 : index
      %get3A_45 = vector.load %arg4[%get3A_42, %get3A_43, %get3A_44] : memref<169x128x128xf32, #tpu.memory_space<vmem>>, vector<1x128x128xf32>
      %get3A_46 = vector.shape_cast %get3A_45 : vector<1x128x128xf32> to vector<128x128xf32>
      %dot_general3A = arith.constant dense<0.000000e+00> : vector<512x128xf32>
      %dot_general3A_47 = tpu.matmul %mul3A_41, %get3A_46, %dot_general3A {dimension_numbers = #tpu.dot_dimension_numbers<[1], [0], [0], [1], [0, 0, 1, 1], [], []>, transpose_lhs_hint = false} : vector<512x128xf32>, vector<128x128xf32>, vector<512x128xf32> -> vector<512x128xf32>
      %add3A_48 = arith.addf %get3A_37, %dot_general3A_47 : vector<512x128xf32>
      %swap3A_49 = arith.constant 0 : index
      %swap3A_50 = arith.constant 0 : index
      %swap3A_51 = vector.load %arg5[%swap3A_49, %swap3A_50] : memref<512x128xf32, #tpu.memory_space<vmem>>, vector<512x128xf32>
      tpu.vector_store %arg5[%swap3A_49, %swap3A_50], %add3A_48 {strides = array<i32>} : memref<512x128xf32, #tpu.memory_space<vmem>>, vector<512x128xf32>,
    }
    %get3A_19 = arith.constant 0 : index
    %get3A_20 = arith.constant 0 : index
    %get3A_21 = vector.load %arg5[%get3A_19, %get3A_20] : memref<512x128xf32, #tpu.memory_space<vmem>>, vector<512x128xf32>
    %max3A = arith.constant 0.000000e+00 : f32
    %max3A_22 = vector.broadcast %max3A : f32 to vector<512x128xf32>
    %max3A_23 = arith.maximumf %get3A_21, %max3A_22 : vector<512x128xf32>
    %swap3A_24 = arith.constant 0 : index
    %swap3A_25 = arith.constant 0 : index
    %swap3A_26 = vector.load %arg5[%swap3A_24, %swap3A_25] : memref<512x128xf32, #tpu.memory_space<vmem>>, vector<512x128xf32>
    tpu.vector_store %arg5[%swap3A_24, %swap3A_25], %max3A_23 {strides = array<i32>} : memref<512x128xf32, #tpu.memory_space<vmem>>, vector<512x128xf32>,
    return
  }
  func.func @transform_0(%arg0: i32) -> (i32, i32, i32) {
    %c0_i32 = arith.constant 0 : i32
    %c0_i32_0 = arith.constant 0 : i32
    %c0_i32_1 = arith.constant 0 : i32
    return %arg0, %c0_i32, %c0_i32_0 : i32, i32, i32
  }
  func.func @transform_1(%arg0: i32) -> (i32, i32, i32) {
    %c0_i32 = arith.constant 0 : i32
    %c0_i32_0 = arith.constant 0 : i32
    %c0_i32_1 = arith.constant 0 : i32
    return %arg0, %c0_i32, %c0_i32_0 : i32, i32, i32
  }
  func.func @transform_2(%arg0: i32) -> (i32, i32) {
    %c0_i32 = arith.constant 0 : i32
    %c0_i32_0 = arith.constant 0 : i32
    return %arg0, %c0_i32 : i32, i32
  }
  func.func @transform_3(%arg0: i32) -> (i32, i32, i32) {
    %c0_i32 = arith.constant 0 : i32
    %c0_i32_0 = arith.constant 0 : i32
    %c0_i32_1 = arith.constant 0 : i32
    %c0_i32_2 = arith.constant 0 : i32
    return %c0_i32, %c0_i32_0, %c0_i32_1 : i32, i32, i32
  }
  func.func @transform_4(%arg0: i32) -> (i32, i32) {
    %c0_i32 = arith.constant 0 : i32
    %c0_i32_0 = arith.constant 0 : i32
    return %arg0, %c0_i32 : i32, i32
  }
}

</mosaic_0001>

<sc_bundles>
// kernel: gather_offload_async_start.1
scs
__scs_entry_jumppad:
0x0: {  	(pc) =	sbr.rel $0x88, $3  }
0x1: {  	(tag) =	ssettag $0x0;
	lr =	simm.s32 $0x1  }
0x2: {  	[smem:$0x3F9C] =	sst lr;
	_ =	strace $0xD0000000  }
0x3: {  	_ = 	snop  }
0x4: {  	_ = 	snop  }
0x5: {  	_ = 	snop  }
0x6: {  	_ = 	snop  }
0x7: {  	_ = 	snop  }
__scs_overlays_trampoline_lowered:
0x8: {  	[smem:$0x3FAB] =	sst s0  }
0x9: {  	[smem:$0x3FAC] =	sst s1  }
0xa: {  	[smem:$0x3FAD] =	sst s2  }
0xb: {  	[smem:$0x3FAE] =	sst s3  }
0xc: {  	[smem:$0x3FAF] =	sst s4  }
0xd: {  	[smem:$0x3FB0] =	sst s5  }
0xe: {  	[smem:$0x3FB1] =	sst s6  }
0xf: {  	[smem:$0x3FB2] =	sst s7  }
0x10: {  	[smem:$0x3FB3] =	sst s8  }
0x11: {  	[smem:$0x3FB4] =	sst s9;
	s0 =	simm.s32 @!p0 $0x0  }
0x12: {  	s1 =	sld [smem:$0x3F9A];
	s0 =	simm.s32 @p0 $0x1  }
0x13: {  	[smem:$0x3FB5] =	sst s0;
	s0 =	simm.s32 @!p1 $0x0  }
0x14: {  	s2 =	sld [smem:$0x3F99];
	s0 =	simm.s32 @p1 $0x1  }
0x15: {  	[smem:$0x3FB6] =	sst s0;
	s0 =	simm.s32 @!p2 $0x0  }
0x16: {  	s3 =	sld [smem:$0x3FDB];
	s0 =	simm.s32 @p2 $0x1  }
0x17: {  	s4 =	simm.s32 $0x1BF5;
	[smem:$0x3FB8] =	sst s0  }
0x18: {  	s0 =	sld [smem:$0x3F9B];
	_ =	swait.ge [sflag:s4], $0x0  }
0x19: {  	s7 =	sld [smem:$0x3F9C]  }
0x1a: {  	s8 =	sadd.s32 $0xFFFFE003, lr  }
0x1b: {  	s9 =	sadd.s32 $0xFFFFFEF7, lr;
	s5 =	simm.s32 $0xFFFFFFFF;
	p2 =	slt.u32 s8, $0xFFFFF086  }
0x1c: {  	p1 =	slt.u32 s9, $0xF7A;
	s5 =	simm.s32 @!p2 $0x0  }
0x1d: {  	s5 =	simm.s32 @p1 $0x1;
	p0 =	seq.s32 s7, s2  }
0x1e: {  	s7 =	smul.u32 @!p0 $0xF7A, s2;
	p2 =	seq.s32 @!p0 s5, $0x0  }
0x1f: {  	s9 =	smul.u32 $0xF7A, s1;
	s8 =	simm.s32 @!p0 $0x1BF5;
	p2 =	por !p2, p0  }
0x20: {  	[sflag:s8] =	ssyncset.s32 @!p0 $0xFFFFF086;
	s6 =	sadd.s32 @!p0 s3, s7;
	s7 =	simm.s32 @!p0 $0x108  }
0x21: {  	s3 =	sadd.s32 s3, s9;
	s6 =	sadd.s32 @!p0 $0x88, s6;
	s7 =	simm.s32 @p2 $0x1082  }
0x22: {  	[simem:s7], [sflag:s8] =	dma.local @!p0 [hbm:s6], $0xF7A  }
0x23: {  	s9 =	sor.u32 $0xD0000000, s2;
	s6 =	simm.s32 $0x108;
	_ =	swait.ge @!p0 [sflag:s8], $0x0  }
0x24: {  	s3 =	sadd.s32 $0x88, s3;
	s6 =	simm.s32 @!p1 $0x1082;
	[sflag:s4] =	ssyncset.s32 $0xFFFFF086  }
0x25: {  	[simem:s6], [sflag:s4] =	dma.local [hbm:s3], $0xF7A  }
0x26: {  	[smem:$0x3F9C] =	sst s1;
	(tag) =	ssettag s2;
	_ =	strace s9  }
0x27: {  	s1 =	sld [smem:$0x3FAC]  }
0x28: {  	s2 =	sld [smem:$0x3FAD]  }
0x29: {  	s4 =	sld [smem:$0x3FAF]  }
0x2a: {  	p0 =	seq.s32 s5, $0x0;
	s5 =	sld [smem:$0x3FB0]  }
0x2b: {  	s6 =	sld [smem:$0x3FB1]  }
0x2c: {  	s7 =	sld [smem:$0x3FB2]  }
0x2d: {  	s3 =	simm.s32 $0x108;
	s8 =	sld [smem:$0x3FB3]  }
0x2e: {  	s3 =	simm.s32 @!p0 $0x1082;
	s9 =	sld [smem:$0x3FB4]  }
0x2f: {  	lr =	sadd.s32 s0, s3;
	s0 =	sld [smem:$0x3FAB]  }
0x30: {  	s3 =	sld [smem:$0x3FAE]  }
0x31: {  	[smem:$0x3FB7] =	sst s10  }
0x32: {  	s10 =	sld [smem:$0x3FB5];
	_ =	sdelay $0x3  }
0x33: {  	p0 =	seq.s32 s10, $0x1;
	s10 =	sld [smem:$0x3FB7];
	_ =	sdelay $0x3  }
0x34: {  	[smem:$0x3FB7] =	sst s10  }
0x35: {  	s10 =	sld [smem:$0x3FB6];
	_ =	sdelay $0x3  }
0x36: {  	p1 =	seq.s32 s10, $0x1;
	s10 =	sld [smem:$0x3FB7];
	_ =	sdelay $0x3  }
0x37: {  	[smem:$0x3FB7] =	sst s10  }
0x38: {  	s10 =	sld [smem:$0x3FB8]  }
0x39: {  	_ = 	snop;
	(pc) =	sbr.ind lr, $3  }
0x3a: {  	_ = 	snop  }
0x3b: {  	_ = 	snop  }
0x3c: {  	p2 =	seq.s32 s10, $0x1;
	s10 =	sld [smem:$0x3FB7]  }
0x3d: {  	_ =	shalt  }
0x3e: {  	_ =	shalt  }
0x3f: {  	_ =	shalt  }
0x40: {  	_ =	shalt  }
0x41: {  	_ =	shalt  }
0x42: {  	_ =	shalt  }
0x43: {  	_ =	shalt  }
0x44: {  	_ =	shalt  }
0x45: {  	_ =	shalt  }
0x46: {  	_ =	shalt  }
0x47: {  	_ =	shalt  }
0x48: {  	_ =	shalt  }
0x49: {  	_ =	shalt  }
0x4a: {  	_ =	shalt  }
0x4b: {  	_ =	shalt  }
0x4c: {  	_ =	shalt  }
0x4d: {  	_ =	shalt  }
0x4e: {  	_ =	shalt  }
0x4f: {  	_ =	shalt  }
0x50: {  	_ =	shalt  }
0x51: {  	_ =	shalt  }
0x52: {  	_ =	shalt  }
0x53: {  	_ =	shalt  }
0x54: {  	_ =	shalt  }
0x55: {  	_ =	shalt  }
0x56: {  	_ =	shalt  }
0x57: {  	_ =	shalt  }
0x58: {  	_ =	shalt  }
0x59: {  	_ =	shalt  }
0x5a: {  	_ =	shalt  }
0x5b: {  	_ =	shalt  }
0x5c: {  	_ =	shalt  }
0x5d: {  	_ =	shalt  }
0x5e: {  	_ =	shalt  }
0x5f: {  	_ =	shalt  }
0x60: {  	_ =	shalt  }
0x61: {  	_ =	shalt  }
0x62: {  	_ =	shalt  }
0x63: {  	_ =	shalt  }
0x64: {  	_ =	shalt  }
0x65: {  	_ =	shalt  }
0x66: {  	_ =	shalt  }
0x67: {  	_ =	shalt  }
0x68: {  	_ =	shalt  }
0x69: {  	_ =	shalt  }
0x6a: {  	_ =	shalt  }
0x6b: {  	_ =	shalt  }
0x6c: {  	_ =	shalt  }
0x6d: {  	_ =	shalt  }
0x6e: {  	_ =	shalt  }
0x6f: {  	_ =	shalt  }
0x70: {  	_ =	shalt  }
0x71: {  	_ =	shalt  }
0x72: {  	_ =	shalt  }
0x73: {  	_ =	shalt  }
0x74: {  	_ =	shalt  }
0x75: {  	_ =	shalt  }
0x76: {  	_ =	shalt  }
0x77: {  	_ =	shalt  }
0x78: {  	_ =	shalt  }
0x79: {  	_ =	shalt  }
0x7a: {  	_ =	shalt  }
0x7b: {  	_ =	shalt  }
0x7c: {  	_ =	shalt  }
0x7d: {  	_ =	shalt  }
0x7e: {  	_ =	shalt  }
0x7f: {  	_ =	shalt  }
0x80: {  	_ =	shalt  }
0x81: {  	_ =	shalt  }
0x82: {  	_ =	shalt  }
0x83: {  	_ =	shalt  }
0x84: {  	_ =	shalt  }
0x85: {  	_ =	shalt  }
0x86: {  	_ =	shalt  }
0x87: {  	_ =	shalt  }
.Lfunc_end0:
.L_simem_size_0:
called_computation.1_lowered:
.L_overlay_start_0:
0x88: {  	s0 =	sld [smem:$0x3FD9]  }
0x89: {  	s1 =	sld [smem:$0x3FFE];
	_ =	sdelay $0x3  }
0x8a: {  	s0 =	sadd.s32 s1, s0  }
0x8b: {  	[smem:$0x3FC3] =	sst s0  }
0x8c: {  	_ = 	snop  }
0x8d: {  	s0 =	sld [smem:$0x3FC9];
	(tm) =	ssettm $0x1  }
0x8e: {  	s16 =	sld [smem:$0x3FFB];
	_ =	sdelay $0x3  }
0x8f: {  	_ =	strace s16  }
0x90: {  	s1 =	sld [smem:$0x3FFC];
	_ =	sdelay $0x3  }
0x91: {  	_ =	strace s1  }
0x92: {  	s1 =	sld [smem:$0x3FFD];
	_ =	sdelay $0x3  }
0x93: {  	_ =	strace s1  }
0x94: {  	_ =	strace $0x8FFFFFFF  }
0x95: {  	s17 =	sld [smem:$0x3FDB];
	_ =	sdelay $0x1  }
0x96: {  	s2 =	simm.s32 $_scs_section_size  }
0x97: {  	s3 =	simm.s32 $_size__tile_overlayer_lowered;
	s4 =	simm.s32 $_tile_overlayer_lowered  }
0x98: {  	s20 =	simm.s32 $0x1BFF;
	s19 =	sshll.u32 s4, $0x1;
	s1 =	sadd.s32 s2, s17  }
0x99: {  	s5 =	simm.s32 $0x0;
	s18 =	sshll.u32 s3, $0x1;
	s3 =	sadd.s32 s19, s1  }
0x9a: {  	[timem:s5], [sflag:s20] =	dma.local [hbm:s3], s18  }
0x9b: {  	_ =	swait.ge [sflag:s20], s18  }
0x9c: {  	s2 =	ssub.s32 $0x0, s18;
	[sflag:s20] =	ssyncset.done $0x0  }
0x9d: {  	[sflag:s20] =	ssyncadd.s32 s2;
	_ =	sdelay $0x1  }
0x9e: {  	s21 =	simm.s32 $0x1B8B  }
0x9f: {  	_ =	swait.ge [sflag:s21], $0x1  }
0xa0: {  	[sflag:s21] =	ssyncset.done $0x0  }
0xa1: {  	s23 =	simm.s32 $0x1B8E;
	s22 =	sld [smem:$0x3FFE];
	[sflag:s21] =	ssyncadd.s32 $0xFFFFFFFF  }
0xa2: {  	s24 =	simm.s32 $execute0_lowered;
	[smem:$0x3FD2] =	sst s23  }
0xa3: {  	s3 =	sshll.u32 s24, $0x1;
	_ =	strace $0x80000049;
	[dreg:$0x1] =	wrdreg $0xFFFFFFFF  }
0xa4: {  	s25 =	simm.s32 $_size_execute0_lowered;
	s1 =	sadd.s32 s1, s3;
	[dreg:$0x0] =	wrdreg $0x0  }
0xa5: {  	s3 =	sshll.u32 s25, $0x1;
	[dreg:$0x2] =	wrdreg s1  }
0xa6: {  	[dreg:$0x3] =	wrdreg s3  }
0xa7: {  	[dreg:$0x4] =	wrdreg $0xC0  }
0xa8: {  	_ =	task [dreg:s5], $0x5FFFF  }
0xa9: {  	[dreg:$0x1] =	wrdreg $0xFFFFFFFF  }
0xaa: {  	[dreg:$0x0] =	wrdreg $0x60  }
0xab: {  	[dreg:$0x2] =	wrdreg s0  }
0xac: {  	[dreg:$0x3] =	wrdreg s22  }
0xad: {  	[dreg:$0x4] =	wrdreg $0xA  }
0xae: {  	_ =	task.clear_ibuf [dreg:s5], $0x5FFFF;
	_ =	strace $0x90000049  }
0xaf: {  	s26 =	simm.s32 $0xA;
	_ =	strace $0x8000004B  }
0xb0: {  	_ =	swait.ge [sflag:s26], $0x1  }
0xb1: {  	[sflag:s26] =	ssyncadd.s32 $0xFFFFFFFF  }
0xb2: {  	_ =	strace $0x9000004B  }
0xb3: {  	_ =	sfence  }
0xb4: {  	s28 =	sld [smem:$0x0];
	_ =	sdelay $0x1  }
0xb5: {  	s29 =	srdreg.scid  }
0xb6: {  	s30 =	sshll.u32 s29, $0xD;
	s31 =	sshrl.u32 s29, $0x2  }
0xb7: {  	s2 =	sand.u32 $0x4000, s30;
	s1 =	sand.u32 $0x1, s29;
	s0 =	sadd.s32 s31, s28  }
0xb8: {  	s1 =	sor.u32 s2, s1;
	s0 =	sshll.u32 s0, $0x11  }
0xb9: {  	s0 =	sor.u32 s0, s1  }
0xba: {  	s0 =	sadd.s32 $0x8F2B, s0  }
0xbb: {  	[sflag:s0] =	ssyncadd.remote.s32 $0x1  }
0xbc: {  	_ =	sfence.sel $0xFFFF  }
0xbd: {  	[dreg:$0x0] =	wrdreg $0xFFFFFFFF;
	(pc) =	sbr.abs _section_cstart, $3  }
0xbe: {  	[dreg:$0x1] =	wrdreg $0xFFFFFFFF  }
0xbf: {  	_ =	task.clear_ibuf [dreg:s5], $0x2FFFF;
	_ =	strace $0x9FFFFFFF  }
0xc0: {  	(tm) =	ssettm $0x7FFFFFFF  }
0xc1: {  	_ =	shalt  }
tec
execute0_lowered:
.L_overlay_start_1:
0x0: {  	(tag) =	ssettag $0x1  }
0x1: {  	s2 =	rddreg [dreg:$0x0]  }
0x2: {  	s8 =	rddreg [dreg:$0x1]  }
0x3: {  	s0 =	rddreg [dreg:$0x2]  }
0x4: {  	_ =	strace $0x8000004A;
	s4 =	simm.s32 $0x1;
	s1 =	stileid.u32  }
0x5: {  	s7 =	simm.s32 $0x1;
	s9 =	simm.s32 $0x1;
	s6 =	simm.s32 $0x2  }
0x6: {  	s10 =	simm.s32 $0x3;
	s13 =	simm.s32 $0x0;
	s12 =	simm.s32 $0x0  }
.Ltmp0:
0x7: {  	s3 =	sadd.s32 $0x2200, s8;
	p0 =	slt.u32 s1, $0xA;
	(pc) =	sbr.rel .LBB2_1-.Ltmp0, $4  }
0x8: {  	[sflag:s4] =	ssyncpa.u1 $0x0;
	s7 =	simm.s32 @!p0 $0x0;
	p0 =	sne.s32 s1, $0x9  }
0x9: {  	s5 =	smul.u32 $0x190, s1;
	[sflag:s6] =	ssyncpa.u1 $0x0;
	s9 =	simm.s32 @!p0 $0x0  }
0xa: {  	s8 =	sadd.s32 $0x2E00, s8;
	[sflag:s10] =	ssyncpa.u1 $0x0;
	s7 =	sadd.s32 s9, s7  }
0xb: {  	vm0 =	vmmov $0xffff;
	s10 =	simm.s32 $0x0;
	s11 =	smov.u32 s5;
	s9 =	sadd.s32 $0x1, s7  }
.LBB2_4:
0xc: {  	vm2 =	veq.s32 v2, $0x80000000;
	v4 =	vand.u32 $0x3, v4;
	v5 =	vor.u32 v6, v5  }
0xd: {  	v1 =	vand.u32 $0x3FFF, v1;
	v7 =	vshrl.u32 v2, $0xE;
	v56 =	vand.u32 $0x3FFF, v2  }
0xe: {  	v4 =	vsel vm1, $0xFFFFFFFF, v4;
	v3 =	vor.u32 v3, v5;
	v1 =	vsel vm1, $0xFFFFFFFF, v1  }
0xf: {  	vm1 =	vmmov vm2;
	v7 =	vand.u32 $0x3, v7;
	v54 =	vshrl.u32 v4, $0x2  }
0x10: {  	v4 =	vshll.u32 v4, $0x7;
	v55 =	vshll.u32 v1, $0x2;
	v57 =	vsel vm1, $0xFFFFFFFF, v7  }
0x11: {  	v2 =	vsel vm1, $0xFFFFFFFF, v56;
	v1 =	vand.u32 $0x7F, v1;
	v5 =	vmul.u32 $0x9E00, v54  }
0x12: {  	v6 =	vand.u32 $0xFFFFFE00, v55;
	v4 =	vand.u32 $0x180, v4;
	v7 =	vshrl.u32 v57, $0x2  }
0x13: {  	v59 =	vshll.u32 v2, $0x2;
	v58 =	vmul.u32 $0x9E00, v7;
	v5 =	vadd.s32 v6, v5  }
0x14: {  	v7 =	vand.u32 $0xFFFFFE00, v59;
	v6 =	vshll.u32 v57, $0x7;
	v4 =	vor.u32 v4, v5  }
0x15: {  	v60 =	vadd.s32 v7, v58;
	v61 =	vand.u32 $0x180, v6;
	v1 =	vor.u32 v1, v4  }
0x16: {  	[tilespmem:s16], [sflag:$0x1] =	stream.indirect_vreg.gather [hbm4b:s2+s10], $0x1, v0, vm0, $0x4038;
	v62 =	vand.u32 $0x7F, v2;
	v63 =	vor.u32 v61, v60;
	[tilespmem:$0x640] =	vst v63  }
0x17: {  	(ifvalue) =	ssetifvalue $0x7FFFFFFF;
	v0 =	vor.u32 v62, v63  }
0x18: {  	[tilespmem:s15], [sflag:$0x1] =	stream.indirect_vreg.gather [hbm4b:s2+s10], $0x1, v3, vm0, $0x4038;
	[tilespmem:$0x640] =	vst v63  }
0x19: {  	s29 =	sadd.s32 $0x10, s15;
	(ifvalue) =	ssetifvalue $0x7FFFFFFF  }
0x1a: {  	[tilespmem:s29], [sflag:$0x1] =	stream.indirect_vreg.gather [hbm4b:s2+s10], $0x1, v1, vm0, $0x4038;
	[tilespmem:$0x640] =	vst v63  }
0x1b: {  	s15 =	sadd.s32 $0x10, s29;
	(ifvalue) =	ssetifvalue $0x7FFFFFFF  }
0x1c: {  	[tilespmem:s15], [sflag:$0x1] =	stream.indirect_vreg.gather [hbm4b:s2+s10], $0x1, v0, vm0, $0x4038;
	[tilespmem:$0x640] =	vst v63  }
0x1d: {  	_ =	swait.ge [sflag:s4], $0x190  }
0x1e: {  	s30 =	sshrl.u32 s13, $0x3;
	[sflag:s4] =	ssyncset.done $0x0  }
0x1f: {  	s31 =	sand.u32 $0x7, s13;
	s15 =	sadd.s32 s8, s30;
	[sflag:s4] =	ssyncadd.s32 $0xFFFFFE70  }
0x20: {  	[hbm4b:s15+s31] =	stream.linear.scatter [tilespmem:s14], [sflag:$0x3], $0x190, $0x38;
	[tilespmem:$0x640] =	vst v63  }
.LBB2_5:
0x21: {  	s15 =	sadd.s32 $0x1900, s11  }
0x22: {  	p1 =	sgt.s32 s15, $0x270F  }
0x23: {  	s15 =	smov.u32 @p1 s5;
	p1 =	sne.s32 s12, s9  }
.Ltmp1:
0x24: {  	p0 =	slt.u32 s12, $0x2;
	(pc) =	sbr.rel @!p1 .LBB2_6-.Ltmp1, $4  }
0x25: {  	s14 =	simm.s32 @!p0 $0x3  }
0x26: {  	_ =	swait.ge @!p0 [sflag:s14], $0x190  }
0x27: {  	s16 =	sadd.s32 $0x1, s12;
	s13 =	smov.u32 s11;
	[sflag:s14] =	ssyncset.done @!p0 $0x0  }
0x28: {  	s12 =	smov.u32 s16;
	s11 =	smov.u32 s15;
	[sflag:s14] =	ssyncadd.s32 @!p0 $0xFFFFFE70  }
.LBB2_1:
0x29: {  	p0 =	sge.u32 s12, s7  }
0x2a: {  	s14 =	sxor.u32 @!p0 $0x1, s12  }
0x2b: {  	s14 =	smul.u32 @!p0 $0x640, s14  }
0x2c: {  	s31 =	sadd.s32 $0xFFFFFFFF, s12;
	s15 =	sshrl.u32 @!p0 s11, $0x3  }
0x2d: {  	s16 =	sand.u32 @!p0 $0x7, s11;
	s15 =	sadd.s32 @!p0 s3, s15;
	s14 =	sshra.s32 @!p0 s14, $0x2  }
0x2e: {  	[tilespmem:s14], [sflag:$0x2] =	stream.linear.gather @!p0 [hbm4b:s15+s16], $0x190, $0x38;
	[tilespmem:$0x640] =	vst v63  }
0x2f: {  	p0 =	sge.u32 s31, s7  }
.Ltmp2:
0x30: {  	_ = 	snop;
	(pc) =	sbr.rel @p0 .LBB2_5-.Ltmp2, $1  }
0x31: {  	_ =	sdelay $0x3  }
0x32: {  	s14 =	sand.u32 $0x1, s12  }
0x33: {  	_ =	swait.ge [sflag:s6], $0x190;
	p0 =	seq.s32 s14, $0x1;
	s14 =	simm.s32 $0x190  }
0x34: {  	[sflag:s6] =	ssyncset.done $0x0;
	s14 =	simm.s32 @!p0 $0x0  }
0x35: {  	[sflag:s6] =	ssyncadd.s32 $0xFFFFFE70;
	(ifvalue) =	ssetifvalue $0x7FFFFFFF;
	v0 =	vld.msk [tilespmem:s14+$0x0 ss:$0x1], $0xffff;
	_ =	sdelay $0x2  }
0x36: {  	s15 =	sadd.s32 $0x10, s14  }
0x37: {  	v2 =	vld.msk [tilespmem:s15+$0x0 ss:$0x1], $0xffff  }
0x38: {  	vm1 =	veq.s32 v0, $0x80000000;
	v1 =	vshrl.u32 v0, $0xE  }
0x39: {  	vm1 =	vmmov vm1;
	v3 =	vand.u32 $0x3, v1  }
0x3a: {  	v0 =	vand.u32 $0x3FFF, v0;
	v3 =	vsel vm1, $0xFFFFFFFF, v3  }
0x3b: {  	s15 =	sadd.s32 $0x10, s15;
	v0 =	vsel vm1, $0xFFFFFFFF, v0;
	v4 =	vshrl.u32 v3, $0x2  }
0x3c: {  	v1 =	vld.msk [tilespmem:s15+$0x0 ss:$0x1], $0xffff;
	v6 =	vshrl.u32 v2, $0xE;
	v5 =	vshll.u32 v0, $0x2;
	v4 =	vmul.u32 $0x9E00, v4  }
0x3d: {  	vm1 =	veq.s32 v2, $0x80000000;
	v3 =	vshll.u32 v3, $0x7;
	v5 =	vand.u32 $0xFFFFFE00, v5  }
0x3e: {  	v0 =	vand.u32 $0x7F, v0;
	v3 =	vand.u32 $0x180, v3;
	v4 =	vadd.s32 v5, v4  }
0x3f: {  	vm1 =	vmmov vm1;
	v5 =	vand.u32 $0x3, v6;
	v3 =	vor.u32 v3, v4  }
0x40: {  	v2 =	vand.u32 $0x3FFF, v2;
	v4 =	vsel vm1, $0xFFFFFFFF, v5;
	v0 =	vor.u32 v0, v3  }
0x41: {  	s15 =	sadd.s32 $0x10, s15;
	vm2 =	veq.s32 v1, $0x80000000;
	v3 =	vsel vm1, $0xFFFFFFFF, v2;
	v2 =	vshrl.u32 v4, $0x2  }
0x42: {  	s14 =	sadd.s32 $0x320, s14;
	v6 =	vshll.u32 v4, $0x7;
	v5 =	vmul.u32 $0x9E00, v2;
	v4 =	vshll.u32 v3, $0x2;
	v2 =	vld.msk [tilespmem:s15+$0x0 ss:$0x1], $0xffff  }
0x43: {  	s17 =	simm.s32 $0x30;
	s16 =	smov.u32 s14;
	vm1 =	vmmov vm2;
	v3 =	vand.u32 $0x7F, v3;
	v7 =	vand.u32 $0xFFFFFE00, v4  }
0x44: {  	s18 =	sadd.s32 $0x10, s15;
	v6 =	vand.u32 $0x180, v6;
	(ifvalue) =	ssetifvalue $0x7FFFFFFF;
	s15 =	sadd.s32 $0x10, s14;
	v4 =	vshrl.u32 v1, $0xE;
	v5 =	vadd.s32 v7, v5  }
.LBB2_3:
0x45: {  	[tilespmem:s16], [sflag:$0x1] =	stream.indirect_vreg.gather [hbm4b:s2+s10], $0x1, v0, vm0, $0x4038;
	[tilespmem:$0x640] =	vst v63  }
0x46: {  	s17 =	sadd.s32 $0x10, s17  }
0x47: {  	vm2 =	veq.s32 v2, $0x80000000;
	v4 =	vand.u32 $0x3, v4;
	v5 =	vor.u32 v6, v5;
	v6 =	vmovc v2;
	v2 =	vld.msk [tilespmem:s18+$0x0 ss:$0x1], $0xffff;
	p0 =	slt.u32 s17, $0x180  }
.Ltmp3:
0x48: {  	v7 =	vand.u32 $0x3FFF, v1;
	s16 =	smov.u32 s15;
	v4 =	vsel vm1, $0xFFFFFFFF, v4;
	v0 =	vor.u32 v3, v5;
	v1 =	vmovc v6;
	(pc) =	sbr.rel @p0 .LBB2_3-.Ltmp3, $4  }
0x49: {  	v5 =	vsel vm1, $0xFFFFFFFF, v7;
	v6 =	vshrl.u32 v4, $0x2;
	v7 =	vshll.u32 v4, $0x7  }
0x4a: {  	v3 =	vand.u32 $0x7F, v5;
	v4 =	vshll.u32 v5, $0x2;
	v6 =	vmul.u32 $0x9E00, v6  }
0x4b: {  	vm1 =	vmmov vm2;
	v5 =	vand.u32 $0xFFFFFE00, v4  }
0x4c: {  	s18 =	sadd.s32 $0x10, s18;
	s15 =	sadd.s32 $0x10, s15;
	v4 =	vshrl.u32 v1, $0xE;
	v5 =	vadd.s32 v5, v6;
	v6 =	vand.u32 $0x180, v7;
	(ifvalue) =	ssetifvalue $0x7FFFFFFF  }
.Ltmp4:
0x4d: {  	_ = 	snop;
	(pc) =	sbr.rel .LBB2_4-.Ltmp4, $1  }
0x4e: {  	_ =	sdelay $0x3  }
.LBB2_6:
0x4f: {  	_ =	sfence.sel $0x180000  }
0x50: {  	s2 =	simm.s32 $0x2;
	[bflag:$0x0] =	sbarrier.arrive $0xFFFF  }
0x51: {  	s30 =	simm.s32 $0x3;
	[sflag:s2] =	ssyncpa.u1 $0x1  }
0x52: {  	s31 =	simm.s32 $0x1;
	[sflag:s30] =	ssyncpa.u1 $0x1  }
0x53: {  	[sflag:s31] =	ssyncpa.u1 $0x1  }
0x54: {  	p0 =	sne.s32 s1, $0x0;
	_ =	strace $0x9000004A  }
0x55: {  	s0 =	sadd.s32 @!p0 $0x100000, s0;
	[bflag:$0x2] =	sbarrier.arrive $0xFFFF  }
0x56: {  	[sflag:s0] =	ssyncadd.tile.s32 @!p0 $0x1;
	_ =	shalt  }
.Lfunc_end2:
_tile_overlayer_lowered:
.L_overlay_start_2:
0x57: {  	(tag) =	ssettag $0x2  }
0x58: {  	s0 =	rddreg [dreg:$0x0];
	s2 =	stileid.u32  }
0x59: {  	s1 =	rddreg [dreg:$0x1];
	p0 =	sne.s32 s2, $0x0  }
0x5a: {  	s3 =	rddreg [dreg:$0x2];
	[bflag:$0x3] =	sbarrier.arrive $0xFFFF;
	s2 =	simm.s32 @!p0 $0x1C01  }
0x5b: {  	[timem:s3], [sflag:s2] =	dma.local @!p0 [hbm:s0], s1  }
0x5c: {  	s0 =	simm.s32 @!p0 $0x1  }
0x5d: {  	_ =	swait.ge @!p0 [sflag:s0], s1  }
0x5e: {  	s1 =	ssub.s32 @!p0 $0x0, s1;
	[sflag:s0] =	ssyncset.done @!p0 $0x0  }
0x5f: {  	[sflag:s0] =	ssyncadd.s32 @!p0 s1  }
0x60: {  	[bflag:$0x3] =	sbarrier.arrive $0xFFFF  }
0x61: {  	_ =	shalt  }

// kernel: gather_offload_async_start
scs
__scs_entry_jumppad:
0x0: {  	(pc) =	sbr.rel $0x88, $3  }
0x1: {  	(tag) =	ssettag $0x0;
	lr =	simm.s32 $0x1  }
0x2: {  	[smem:$0x3F9C] =	sst lr;
	_ =	strace $0xD0000000  }
0x3: {  	_ = 	snop  }
0x4: {  	_ = 	snop  }
0x5: {  	_ = 	snop  }
0x6: {  	_ = 	snop  }
0x7: {  	_ = 	snop  }
__scs_overlays_trampoline_lowered:
0x8: {  	[smem:$0x3FAB] =	sst s0  }
0x9: {  	[smem:$0x3FAC] =	sst s1  }
0xa: {  	[smem:$0x3FAD] =	sst s2  }
0xb: {  	[smem:$0x3FAE] =	sst s3  }
0xc: {  	[smem:$0x3FAF] =	sst s4  }
0xd: {  	[smem:$0x3FB0] =	sst s5  }
0xe: {  	[smem:$0x3FB1] =	sst s6  }
0xf: {  	[smem:$0x3FB2] =	sst s7  }
0x10: {  	[smem:$0x3FB3] =	sst s8  }
0x11: {  	[smem:$0x3FB4] =	sst s9;
	s0 =	simm.s32 @!p0 $0x0  }
0x12: {  	s1 =	sld [smem:$0x3F9A];
	s0 =	simm.s32 @p0 $0x1  }
0x13: {  	[smem:$0x3FB5] =	sst s0;
	s0 =	simm.s32 @!p1 $0x0  }
0x14: {  	s2 =	sld [smem:$0x3F99];
	s0 =	simm.s32 @p1 $0x1  }
0x15: {  	[smem:$0x3FB6] =	sst s0;
	s0 =	simm.s32 @!p2 $0x0  }
0x16: {  	s3 =	sld [smem:$0x3FDB];
	s0 =	simm.s32 @p2 $0x1  }
0x17: {  	s4 =	simm.s32 $0x1BF5;
	[smem:$0x3FB8] =	sst s0  }
0x18: {  	s0 =	sld [smem:$0x3F9B];
	_ =	swait.ge [sflag:s4], $0x0  }
0x19: {  	s7 =	sld [smem:$0x3F9C]  }
0x1a: {  	s8 =	sadd.s32 $0xFFFFE003, lr  }
0x1b: {  	s9 =	sadd.s32 $0xFFFFFEF7, lr;
	s5 =	simm.s32 $0xFFFFFFFF;
	p2 =	slt.u32 s8, $0xFFFFF086  }
0x1c: {  	p1 =	slt.u32 s9, $0xF7A;
	s5 =	simm.s32 @!p2 $0x0  }
0x1d: {  	s5 =	simm.s32 @p1 $0x1;
	p0 =	seq.s32 s7, s2  }
0x1e: {  	s7 =	smul.u32 @!p0 $0xF7A, s2;
	p2 =	seq.s32 @!p0 s5, $0x0  }
0x1f: {  	s9 =	smul.u32 $0xF7A, s1;
	s8 =	simm.s32 @!p0 $0x1BF5;
	p2 =	por !p2, p0  }
0x20: {  	[sflag:s8] =	ssyncset.s32 @!p0 $0xFFFFF086;
	s6 =	sadd.s32 @!p0 s3, s7;
	s7 =	simm.s32 @!p0 $0x108  }
0x21: {  	s3 =	sadd.s32 s3, s9;
	s6 =	sadd.s32 @!p0 $0x88, s6;
	s7 =	simm.s32 @p2 $0x1082  }
0x22: {  	[simem:s7], [sflag:s8] =	dma.local @!p0 [hbm:s6], $0xF7A  }
0x23: {  	s9 =	sor.u32 $0xD0000000, s2;
	s6 =	simm.s32 $0x108;
	_ =	swait.ge @!p0 [sflag:s8], $0x0  }
0x24: {  	s3 =	sadd.s32 $0x88, s3;
	s6 =	simm.s32 @!p1 $0x1082;
	[sflag:s4] =	ssyncset.s32 $0xFFFFF086  }
0x25: {  	[simem:s6], [sflag:s4] =	dma.local [hbm:s3], $0xF7A  }
0x26: {  	[smem:$0x3F9C] =	sst s1;
	(tag) =	ssettag s2;
	_ =	strace s9  }
0x27: {  	s1 =	sld [smem:$0x3FAC]  }
0x28: {  	s2 =	sld [smem:$0x3FAD]  }
0x29: {  	s4 =	sld [smem:$0x3FAF]  }
0x2a: {  	p0 =	seq.s32 s5, $0x0;
	s5 =	sld [smem:$0x3FB0]  }
0x2b: {  	s6 =	sld [smem:$0x3FB1]  }
0x2c: {  	s7 =	sld [smem:$0x3FB2]  }
0x2d: {  	s3 =	simm.s32 $0x108;
	s8 =	sld [smem:$0x3FB3]  }
0x2e: {  	s3 =	simm.s32 @!p0 $0x1082;
	s9 =	sld [smem:$0x3FB4]  }
0x2f: {  	lr =	sadd.s32 s0, s3;
	s0 =	sld [smem:$0x3FAB]  }
0x30: {  	s3 =	sld [smem:$0x3FAE]  }
0x31: {  	[smem:$0x3FB7] =	sst s10  }
0x32: {  	s10 =	sld [smem:$0x3FB5];
	_ =	sdelay $0x3  }
0x33: {  	p0 =	seq.s32 s10, $0x1;
	s10 =	sld [smem:$0x3FB7];
	_ =	sdelay $0x3  }
0x34: {  	[smem:$0x3FB7] =	sst s10  }
0x35: {  	s10 =	sld [smem:$0x3FB6];
	_ =	sdelay $0x3  }
0x36: {  	p1 =	seq.s32 s10, $0x1;
	s10 =	sld [smem:$0x3FB7];
	_ =	sdelay $0x3  }
0x37: {  	[smem:$0x3FB7] =	sst s10  }
0x38: {  	s10 =	sld [smem:$0x3FB8]  }
0x39: {  	_ = 	snop;
	(pc) =	sbr.ind lr, $3  }
0x3a: {  	_ = 	snop  }
0x3b: {  	_ = 	snop  }
0x3c: {  	p2 =	seq.s32 s10, $0x1;
	s10 =	sld [smem:$0x3FB7]  }
0x3d: {  	_ =	shalt  }
0x3e: {  	_ =	shalt  }
0x3f: {  	_ =	shalt  }
0x40: {  	_ =	shalt  }
0x41: {  	_ =	shalt  }
0x42: {  	_ =	shalt  }
0x43: {  	_ =	shalt  }
0x44: {  	_ =	shalt  }
0x45: {  	_ =	shalt  }
0x46: {  	_ =	shalt  }
0x47: {  	_ =	shalt  }
0x48: {  	_ =	shalt  }
0x49: {  	_ =	shalt  }
0x4a: {  	_ =	shalt  }
0x4b: {  	_ =	shalt  }
0x4c: {  	_ =	shalt  }
0x4d: {  	_ =	shalt  }
0x4e: {  	_ =	shalt  }
0x4f: {  	_ =	shalt  }
0x50: {  	_ =	shalt  }
0x51: {  	_ =	shalt  }
0x52: {  	_ =	shalt  }
0x53: {  	_ =	shalt  }
0x54: {  	_ =	shalt  }
0x55: {  	_ =	shalt  }
0x56: {  	_ =	shalt  }
0x57: {  	_ =	shalt  }
0x58: {  	_ =	shalt  }
0x59: {  	_ =	shalt  }
0x5a: {  	_ =	shalt  }
0x5b: {  	_ =	shalt  }
0x5c: {  	_ =	shalt  }
0x5d: {  	_ =	shalt  }
0x5e: {  	_ =	shalt  }
0x5f: {  	_ =	shalt  }
0x60: {  	_ =	shalt  }
0x61: {  	_ =	shalt  }
0x62: {  	_ =	shalt  }
0x63: {  	_ =	shalt  }
0x64: {  	_ =	shalt  }
0x65: {  	_ =	shalt  }
0x66: {  	_ =	shalt  }
0x67: {  	_ =	shalt  }
0x68: {  	_ =	shalt  }
0x69: {  	_ =	shalt  }
0x6a: {  	_ =	shalt  }
0x6b: {  	_ =	shalt  }
0x6c: {  	_ =	shalt  }
0x6d: {  	_ =	shalt  }
0x6e: {  	_ =	shalt  }
0x6f: {  	_ =	shalt  }
0x70: {  	_ =	shalt  }
0x71: {  	_ =	shalt  }
0x72: {  	_ =	shalt  }
0x73: {  	_ =	shalt  }
0x74: {  	_ =	shalt  }
0x75: {  	_ =	shalt  }
0x76: {  	_ =	shalt  }
0x77: {  	_ =	shalt  }
0x78: {  	_ =	shalt  }
0x79: {  	_ =	shalt  }
0x7a: {  	_ =	shalt  }
0x7b: {  	_ =	shalt  }
0x7c: {  	_ =	shalt  }
0x7d: {  	_ =	shalt  }
0x7e: {  	_ =	shalt  }
0x7f: {  	_ =	shalt  }
0x80: {  	_ =	shalt  }
0x81: {  	_ =	shalt  }
0x82: {  	_ =	shalt  }
0x83: {  	_ =	shalt  }
0x84: {  	_ =	shalt  }
0x85: {  	_ =	shalt  }
0x86: {  	_ =	shalt  }
0x87: {  	_ =	shalt  }
.Lfunc_end0:
.L_simem_size_0:
called_computation_lowered:
.L_overlay_start_0:
0x88: {  	s0 =	sld [smem:$0x3FD9]  }
0x89: {  	s1 =	sld [smem:$0x3FFE];
	_ =	sdelay $0x3  }
0x8a: {  	s0 =	sadd.s32 s1, s0  }
0x8b: {  	[smem:$0x3FC3] =	sst s0  }
0x8c: {  	_ = 	snop  }
0x8d: {  	s0 =	sld [smem:$0x3FC9];
	(tm) =	ssettm $0x1  }
0x8e: {  	s16 =	sld [smem:$0x3FFB];
	_ =	sdelay $0x3  }
0x8f: {  	_ =	strace s16  }
0x90: {  	s1 =	sld [smem:$0x3FFC];
	_ =	sdelay $0x3  }
0x91: {  	_ =	strace s1  }
0x92: {  	s1 =	sld [smem:$0x3FFD];
	_ =	sdelay $0x3  }
0x93: {  	_ =	strace s1  }
0x94: {  	_ =	strace $0x8FFFFFFF  }
0x95: {  	s17 =	sld [smem:$0x3FDB];
	_ =	sdelay $0x1  }
0x96: {  	s2 =	simm.s32 $_scs_section_size  }
0x97: {  	s3 =	simm.s32 $_size__tile_overlayer_lowered;
	s4 =	simm.s32 $_tile_overlayer_lowered  }
0x98: {  	s20 =	simm.s32 $0x1BFF;
	s19 =	sshll.u32 s4, $0x1;
	s1 =	sadd.s32 s2, s17  }
0x99: {  	s5 =	simm.s32 $0x0;
	s18 =	sshll.u32 s3, $0x1;
	s3 =	sadd.s32 s19, s1  }
0x9a: {  	[timem:s5], [sflag:s20] =	dma.local [hbm:s3], s18  }
0x9b: {  	_ =	swait.ge [sflag:s20], s18  }
0x9c: {  	s2 =	ssub.s32 $0x0, s18;
	[sflag:s20] =	ssyncset.done $0x0  }
0x9d: {  	[sflag:s20] =	ssyncadd.s32 s2;
	_ =	sdelay $0x1  }
0x9e: {  	s21 =	simm.s32 $0x1B8B  }
0x9f: {  	_ =	swait.ge [sflag:s21], $0x1  }
0xa0: {  	[sflag:s21] =	ssyncset.done $0x0  }
0xa1: {  	s23 =	simm.s32 $0x1B8E;
	s22 =	sld [smem:$0x3FFE];
	[sflag:s21] =	ssyncadd.s32 $0xFFFFFFFF  }
0xa2: {  	s24 =	simm.s32 $execute0_lowered;
	[smem:$0x3FD2] =	sst s23  }
0xa3: {  	s3 =	sshll.u32 s24, $0x1;
	_ =	strace $0x80000046;
	[dreg:$0x1] =	wrdreg $0xFFFFFFFF  }
0xa4: {  	s25 =	simm.s32 $_size_execute0_lowered;
	s1 =	sadd.s32 s1, s3;
	[dreg:$0x0] =	wrdreg $0x0  }
0xa5: {  	s3 =	sshll.u32 s25, $0x1;
	[dreg:$0x2] =	wrdreg s1  }
0xa6: {  	[dreg:$0x3] =	wrdreg s3  }
0xa7: {  	[dreg:$0x4] =	wrdreg $0xC0  }
0xa8: {  	_ =	task [dreg:s5], $0x5FFFF  }
0xa9: {  	[dreg:$0x1] =	wrdreg $0xFFFFFFFF  }
0xaa: {  	[dreg:$0x0] =	wrdreg $0x60  }
0xab: {  	[dreg:$0x2] =	wrdreg s0  }
0xac: {  	[dreg:$0x3] =	wrdreg s22  }
0xad: {  	[dreg:$0x4] =	wrdreg $0x9  }
0xae: {  	_ =	task.clear_ibuf [dreg:s5], $0x5FFFF;
	_ =	strace $0x90000046  }
0xaf: {  	s26 =	simm.s32 $0x9;
	_ =	strace $0x80000048  }
0xb0: {  	_ =	swait.ge [sflag:s26], $0x1  }
0xb1: {  	[sflag:s26] =	ssyncadd.s32 $0xFFFFFFFF  }
0xb2: {  	_ =	strace $0x90000048  }
0xb3: {  	_ =	sfence  }
0xb4: {  	s28 =	sld [smem:$0x0];
	_ =	sdelay $0x1  }
0xb5: {  	s29 =	srdreg.scid  }
0xb6: {  	s30 =	sshll.u32 s29, $0xD;
	s31 =	sshrl.u32 s29, $0x2  }
0xb7: {  	s2 =	sand.u32 $0x4000, s30;
	s1 =	sand.u32 $0x1, s29;
	s0 =	sadd.s32 s31, s28  }
0xb8: {  	s1 =	sor.u32 s2, s1;
	s0 =	sshll.u32 s0, $0x11  }
0xb9: {  	s0 =	sor.u32 s0, s1  }
0xba: {  	s0 =	sadd.s32 $0x8F2B, s0  }
0xbb: {  	[sflag:s0] =	ssyncadd.remote.s32 $0x1  }
0xbc: {  	_ =	sfence.sel $0xFFFF  }
0xbd: {  	[dreg:$0x0] =	wrdreg $0xFFFFFFFF;
	(pc) =	sbr.abs _section_cstart, $3  }
0xbe: {  	[dreg:$0x1] =	wrdreg $0xFFFFFFFF  }
0xbf: {  	_ =	task.clear_ibuf [dreg:s5], $0x2FFFF;
	_ =	strace $0x9FFFFFFF  }
0xc0: {  	(tm) =	ssettm $0x7FFFFFFF  }
0xc1: {  	_ =	shalt  }
tec
execute0_lowered:
.L_overlay_start_1:
0x0: {  	(tag) =	ssettag $0x1  }
0x1: {  	s2 =	rddreg [dreg:$0x0]  }
0x2: {  	s8 =	rddreg [dreg:$0x1]  }
0x3: {  	s0 =	rddreg [dreg:$0x2]  }
0x4: {  	_ =	strace $0x80000047;
	s4 =	simm.s32 $0x1;
	s1 =	stileid.u32  }
0x5: {  	s7 =	simm.s32 $0x1;
	s9 =	simm.s32 $0x1;
	s6 =	simm.s32 $0x2  }
0x6: {  	s10 =	simm.s32 $0x3;
	s13 =	simm.s32 $0x0;
	s12 =	simm.s32 $0x0  }
.Ltmp0:
0x7: {  	s3 =	sadd.s32 $0x1C00, s8;
	p0 =	slt.u32 s1, $0xA;
	(pc) =	sbr.rel .LBB2_1-.Ltmp0, $4  }
0x8: {  	[sflag:s4] =	ssyncpa.u1 $0x0;
	s7 =	simm.s32 @!p0 $0x0;
	p0 =	sne.s32 s1, $0x9  }
0x9: {  	s5 =	smul.u32 $0x190, s1;
	[sflag:s6] =	ssyncpa.u1 $0x0;
	s9 =	simm.s32 @!p0 $0x0  }
0xa: {  	s8 =	sadd.s32 $0x2800, s8;
	[sflag:s10] =	ssyncpa.u1 $0x0;
	s7 =	sadd.s32 s9, s7  }
0xb: {  	vm0 =	vmmov $0xffff;
	s10 =	simm.s32 $0x0;
	s11 =	smov.u32 s5;
	s9 =	sadd.s32 $0x1, s7  }
.LBB2_4:
0xc: {  	vm2 =	veq.s32 v2, $0x80000000;
	v4 =	vand.u32 $0x3, v4;
	v5 =	vor.u32 v6, v5  }
0xd: {  	v1 =	vand.u32 $0x3FFF, v1;
	v7 =	vshrl.u32 v2, $0xE;
	v56 =	vand.u32 $0x3FFF, v2  }
0xe: {  	v4 =	vsel vm1, $0xFFFFFFFF, v4;
	v3 =	vor.u32 v3, v5;
	v1 =	vsel vm1, $0xFFFFFFFF, v1  }
0xf: {  	vm1 =	vmmov vm2;
	v7 =	vand.u32 $0x3, v7;
	v54 =	vshrl.u32 v4, $0x2  }
0x10: {  	v4 =	vshll.u32 v4, $0x7;
	v55 =	vshll.u32 v1, $0x2;
	v57 =	vsel vm1, $0xFFFFFFFF, v7  }
0x11: {  	v2 =	vsel vm1, $0xFFFFFFFF, v56;
	v1 =	vand.u32 $0x7F, v1;
	v5 =	vmul.u32 $0x9E00, v54  }
0x12: {  	v6 =	vand.u32 $0xFFFFFE00, v55;
	v4 =	vand.u32 $0x180, v4;
	v7 =	vshrl.u32 v57, $0x2  }
0x13: {  	v59 =	vshll.u32 v2, $0x2;
	v58 =	vmul.u32 $0x9E00, v7;
	v5 =	vadd.s32 v6, v5  }
0x14: {  	v7 =	vand.u32 $0xFFFFFE00, v59;
	v6 =	vshll.u32 v57, $0x7;
	v4 =	vor.u32 v4, v5  }
0x15: {  	v60 =	vadd.s32 v7, v58;
	v61 =	vand.u32 $0x180, v6;
	v1 =	vor.u32 v1, v4  }
0x16: {  	[tilespmem:s16], [sflag:$0x1] =	stream.indirect_vreg.gather [hbm4b:s2+s10], $0x1, v0, vm0, $0x4038;
	v62 =	vand.u32 $0x7F, v2;
	v63 =	vor.u32 v61, v60;
	[tilespmem:$0x640] =	vst v63  }
0x17: {  	(ifvalue) =	ssetifvalue $0x7FFFFFFF;
	v0 =	vor.u32 v62, v63  }
0x18: {  	[tilespmem:s15], [sflag:$0x1] =	stream.indirect_vreg.gather [hbm4b:s2+s10], $0x1, v3, vm0, $0x4038;
	[tilespmem:$0x640] =	vst v63  }
0x19: {  	s29 =	sadd.s32 $0x10, s15;
	(ifvalue) =	ssetifvalue $0x7FFFFFFF  }
0x1a: {  	[tilespmem:s29], [sflag:$0x1] =	stream.indirect_vreg.gather [hbm4b:s2+s10], $0x1, v1, vm0, $0x4038;
	[tilespmem:$0x640] =	vst v63  }
0x1b: {  	s15 =	sadd.s32 $0x10, s29;
	(ifvalue) =	ssetifvalue $0x7FFFFFFF  }
0x1c: {  	[tilespmem:s15], [sflag:$0x1] =	stream.indirect_vreg.gather [hbm4b:s2+s10], $0x1, v0, vm0, $0x4038;
	[tilespmem:$0x640] =	vst v63  }
0x1d: {  	_ =	swait.ge [sflag:s4], $0x190  }
0x1e: {  	s30 =	sshrl.u32 s13, $0x3;
	[sflag:s4] =	ssyncset.done $0x0  }
0x1f: {  	s31 =	sand.u32 $0x7, s13;
	s15 =	sadd.s32 s8, s30;
	[sflag:s4] =	ssyncadd.s32 $0xFFFFFE70  }
0x20: {  	[hbm4b:s15+s31] =	stream.linear.scatter [tilespmem:s14], [sflag:$0x3], $0x190, $0x38;
	[tilespmem:$0x640] =	vst v63  }
.LBB2_5:
0x21: {  	s15 =	sadd.s32 $0x1900, s11  }
0x22: {  	p1 =	sgt.s32 s15, $0x270F  }
0x23: {  	s15 =	smov.u32 @p1 s5;
	p1 =	sne.s32 s12, s9  }
.Ltmp1:
0x24: {  	p0 =	slt.u32 s12, $0x2;
	(pc) =	sbr.rel @!p1 .LBB2_6-.Ltmp1, $4  }
0x25: {  	s14 =	simm.s32 @!p0 $0x3  }
0x26: {  	_ =	swait.ge @!p0 [sflag:s14], $0x190  }
0x27: {  	s16 =	sadd.s32 $0x1, s12;
	s13 =	smov.u32 s11;
	[sflag:s14] =	ssyncset.done @!p0 $0x0  }
0x28: {  	s12 =	smov.u32 s16;
	s11 =	smov.u32 s15;
	[sflag:s14] =	ssyncadd.s32 @!p0 $0xFFFFFE70  }
.LBB2_1:
0x29: {  	p0 =	sge.u32 s12, s7  }
0x2a: {  	s14 =	sxor.u32 @!p0 $0x1, s12  }
0x2b: {  	s14 =	smul.u32 @!p0 $0x640, s14  }
0x2c: {  	s31 =	sadd.s32 $0xFFFFFFFF, s12;
	s15 =	sshrl.u32 @!p0 s11, $0x3  }
0x2d: {  	s16 =	sand.u32 @!p0 $0x7, s11;
	s15 =	sadd.s32 @!p0 s3, s15;
	s14 =	sshra.s32 @!p0 s14, $0x2  }
0x2e: {  	[tilespmem:s14], [sflag:$0x2] =	stream.linear.gather @!p0 [hbm4b:s15+s16], $0x190, $0x38;
	[tilespmem:$0x640] =	vst v63  }
0x2f: {  	p0 =	sge.u32 s31, s7  }
.Ltmp2:
0x30: {  	_ = 	snop;
	(pc) =	sbr.rel @p0 .LBB2_5-.Ltmp2, $1  }
0x31: {  	_ =	sdelay $0x3  }
0x32: {  	s14 =	sand.u32 $0x1, s12  }
0x33: {  	_ =	swait.ge [sflag:s6], $0x190;
	p0 =	seq.s32 s14, $0x1;
	s14 =	simm.s32 $0x190  }
0x34: {  	[sflag:s6] =	ssyncset.done $0x0;
	s14 =	simm.s32 @!p0 $0x0  }
0x35: {  	[sflag:s6] =	ssyncadd.s32 $0xFFFFFE70;
	(ifvalue) =	ssetifvalue $0x7FFFFFFF;
	v0 =	vld.msk [tilespmem:s14+$0x0 ss:$0x1], $0xffff;
	_ =	sdelay $0x2  }
0x36: {  	s15 =	sadd.s32 $0x10, s14  }
0x37: {  	v2 =	vld.msk [tilespmem:s15+$0x0 ss:$0x1], $0xffff  }
0x38: {  	vm1 =	veq.s32 v0, $0x80000000;
	v1 =	vshrl.u32 v0, $0xE  }
0x39: {  	vm1 =	vmmov vm1;
	v3 =	vand.u32 $0x3, v1  }
0x3a: {  	v0 =	vand.u32 $0x3FFF, v0;
	v3 =	vsel vm1, $0xFFFFFFFF, v3  }
0x3b: {  	s15 =	sadd.s32 $0x10, s15;
	v0 =	vsel vm1, $0xFFFFFFFF, v0;
	v4 =	vshrl.u32 v3, $0x2  }
0x3c: {  	v1 =	vld.msk [tilespmem:s15+$0x0 ss:$0x1], $0xffff;
	v6 =	vshrl.u32 v2, $0xE;
	v5 =	vshll.u32 v0, $0x2;
	v4 =	vmul.u32 $0x9E00, v4  }
0x3d: {  	vm1 =	veq.s32 v2, $0x80000000;
	v3 =	vshll.u32 v3, $0x7;
	v5 =	vand.u32 $0xFFFFFE00, v5  }
0x3e: {  	v0 =	vand.u32 $0x7F, v0;
	v3 =	vand.u32 $0x180, v3;
	v4 =	vadd.s32 v5, v4  }
0x3f: {  	vm1 =	vmmov vm1;
	v5 =	vand.u32 $0x3, v6;
	v3 =	vor.u32 v3, v4  }
0x40: {  	v2 =	vand.u32 $0x3FFF, v2;
	v4 =	vsel vm1, $0xFFFFFFFF, v5;
	v0 =	vor.u32 v0, v3  }
0x41: {  	s15 =	sadd.s32 $0x10, s15;
	vm2 =	veq.s32 v1, $0x80000000;
	v3 =	vsel vm1, $0xFFFFFFFF, v2;
	v2 =	vshrl.u32 v4, $0x2  }
0x42: {  	s14 =	sadd.s32 $0x320, s14;
	v6 =	vshll.u32 v4, $0x7;
	v5 =	vmul.u32 $0x9E00, v2;
	v4 =	vshll.u32 v3, $0x2;
	v2 =	vld.msk [tilespmem:s15+$0x0 ss:$0x1], $0xffff  }
0x43: {  	s17 =	simm.s32 $0x30;
	s16 =	smov.u32 s14;
	vm1 =	vmmov vm2;
	v3 =	vand.u32 $0x7F, v3;
	v7 =	vand.u32 $0xFFFFFE00, v4  }
0x44: {  	s18 =	sadd.s32 $0x10, s15;
	v6 =	vand.u32 $0x180, v6;
	(ifvalue) =	ssetifvalue $0x7FFFFFFF;
	s15 =	sadd.s32 $0x10, s14;
	v4 =	vshrl.u32 v1, $0xE;
	v5 =	vadd.s32 v7, v5  }
.LBB2_3:
0x45: {  	[tilespmem:s16], [sflag:$0x1] =	stream.indirect_vreg.gather [hbm4b:s2+s10], $0x1, v0, vm0, $0x4038;
	[tilespmem:$0x640] =	vst v63  }
0x46: {  	s17 =	sadd.s32 $0x10, s17  }
0x47: {  	vm2 =	veq.s32 v2, $0x80000000;
	v4 =	vand.u32 $0x3, v4;
	v5 =	vor.u32 v6, v5;
	v6 =	vmovc v2;
	v2 =	vld.msk [tilespmem:s18+$0x0 ss:$0x1], $0xffff;
	p0 =	slt.u32 s17, $0x180  }
.Ltmp3:
0x48: {  	v7 =	vand.u32 $0x3FFF, v1;
	s16 =	smov.u32 s15;
	v4 =	vsel vm1, $0xFFFFFFFF, v4;
	v0 =	vor.u32 v3, v5;
	v1 =	vmovc v6;
	(pc) =	sbr.rel @p0 .LBB2_3-.Ltmp3, $4  }
0x49: {  	v5 =	vsel vm1, $0xFFFFFFFF, v7;
	v6 =	vshrl.u32 v4, $0x2;
	v7 =	vshll.u32 v4, $0x7  }
0x4a: {  	v3 =	vand.u32 $0x7F, v5;
	v4 =	vshll.u32 v5, $0x2;
	v6 =	vmul.u32 $0x9E00, v6  }
0x4b: {  	vm1 =	vmmov vm2;
	v5 =	vand.u32 $0xFFFFFE00, v4  }
0x4c: {  	s18 =	sadd.s32 $0x10, s18;
	s15 =	sadd.s32 $0x10, s15;
	v4 =	vshrl.u32 v1, $0xE;
	v5 =	vadd.s32 v5, v6;
	v6 =	vand.u32 $0x180, v7;
	(ifvalue) =	ssetifvalue $0x7FFFFFFF  }
.Ltmp4:
0x4d: {  	_ = 	snop;
	(pc) =	sbr.rel .LBB2_4-.Ltmp4, $1  }
0x4e: {  	_ =	sdelay $0x3  }
.LBB2_6:
0x4f: {  	_ =	sfence.sel $0x180000  }
0x50: {  	s2 =	simm.s32 $0x2;
	[bflag:$0x0] =	sbarrier.arrive $0xFFFF  }
0x51: {  	s30 =	simm.s32 $0x3;
	[sflag:s2] =	ssyncpa.u1 $0x1  }
0x52: {  	s31 =	simm.s32 $0x1;
	[sflag:s30] =	ssyncpa.u1 $0x1  }
0x53: {  	[sflag:s31] =	ssyncpa.u1 $0x1  }
0x54: {  	p0 =	sne.s32 s1, $0x0;
	_ =	strace $0x90000047  }
0x55: {  	s0 =	sadd.s32 @!p0 $0x100000, s0;
	[bflag:$0x2] =	sbarrier.arrive $0xFFFF  }
0x56: {  	[sflag:s0] =	ssyncadd.tile.s32 @!p0 $0x1;
	_ =	shalt  }
.Lfunc_end2:
_tile_overlayer_lowered:
.L_overlay_start_2:
0x57: {  	(tag) =	ssettag $0x2  }
0x58: {  	s0 =	rddreg [dreg:$0x0];
	s2 =	stileid.u32  }
0x59: {  	s1 =	rddreg [dreg:$0x1];
	p0 =	sne.s32 s2, $0x0  }
0x5a: {  	s3 =	rddreg [dreg:$0x2];
	[bflag:$0x3] =	sbarrier.arrive $0xFFFF;
	s2 =	simm.s32 @!p0 $0x1C01  }
0x5b: {  	[timem:s3], [sflag:s2] =	dma.local @!p0 [hbm:s0], s1  }
0x5c: {  	s0 =	simm.s32 @!p0 $0x1  }
0x5d: {  	_ =	swait.ge @!p0 [sflag:s0], s1  }
0x5e: {  	s1 =	ssub.s32 @!p0 $0x0, s1;
	[sflag:s0] =	ssyncset.done @!p0 $0x0  }
0x5f: {  	[sflag:s0] =	ssyncadd.s32 @!p0 s1  }
0x60: {  	[bflag:$0x3] =	sbarrier.arrive $0xFFFF  }
0x61: {  	_ =	shalt  }

// kernel: kernel.5.cloned.1.call-start
scs
__scs_entry_jumppad:
0x0: {  	(pc) =	sbr.rel $0x88, $3  }
0x1: {  	(tag) =	ssettag $0x0;
	lr =	simm.s32 $0x1  }
0x2: {  	[smem:$0x3F9C] =	sst lr;
	_ =	strace $0xD0000000  }
0x3: {  	_ = 	snop  }
0x4: {  	_ = 	snop  }
0x5: {  	_ = 	snop  }
0x6: {  	_ = 	snop  }
0x7: {  	_ = 	snop  }
__scs_overlays_trampoline_lowered:
0x8: {  	[smem:$0x3FAB] =	sst s0  }
0x9: {  	[smem:$0x3FAC] =	sst s1  }
0xa: {  	[smem:$0x3FAD] =	sst s2  }
0xb: {  	[smem:$0x3FAE] =	sst s3  }
0xc: {  	[smem:$0x3FAF] =	sst s4  }
0xd: {  	[smem:$0x3FB0] =	sst s5  }
0xe: {  	[smem:$0x3FB1] =	sst s6  }
0xf: {  	[smem:$0x3FB2] =	sst s7  }
0x10: {  	[smem:$0x3FB3] =	sst s8  }
0x11: {  	[smem:$0x3FB4] =	sst s9;
	s0 =	simm.s32 @!p0 $0x0  }
0x12: {  	s1 =	sld [smem:$0x3F9A];
	s0 =	simm.s32 @p0 $0x1  }
0x13: {  	[smem:$0x3FB5] =	sst s0;
	s0 =	simm.s32 @!p1 $0x0  }
0x14: {  	s2 =	sld [smem:$0x3F99];
	s0 =	simm.s32 @p1 $0x1  }
0x15: {  	[smem:$0x3FB6] =	sst s0;
	s0 =	simm.s32 @!p2 $0x0  }
0x16: {  	s3 =	sld [smem:$0x3FDB];
	s0 =	simm.s32 @p2 $0x1  }
0x17: {  	s4 =	simm.s32 $0x1BF5;
	[smem:$0x3FB8] =	sst s0  }
0x18: {  	s0 =	sld [smem:$0x3F9B];
	_ =	swait.ge [sflag:s4], $0x0  }
0x19: {  	s7 =	sld [smem:$0x3F9C]  }
0x1a: {  	s8 =	sadd.s32 $0xFFFFE003, lr  }
0x1b: {  	s9 =	sadd.s32 $0xFFFFFEF7, lr;
	s5 =	simm.s32 $0xFFFFFFFF;
	p2 =	slt.u32 s8, $0xFFFFF086  }
0x1c: {  	p1 =	slt.u32 s9, $0xF7A;
	s5 =	simm.s32 @!p2 $0x0  }
0x1d: {  	s5 =	simm.s32 @p1 $0x1;
	p0 =	seq.s32 s7, s2  }
0x1e: {  	s7 =	smul.u32 @!p0 $0xF7A, s2;
	p2 =	seq.s32 @!p0 s5, $0x0  }
0x1f: {  	s9 =	smul.u32 $0xF7A, s1;
	s8 =	simm.s32 @!p0 $0x1BF5;
	p2 =	por !p2, p0  }
0x20: {  	[sflag:s8] =	ssyncset.s32 @!p0 $0xFFFFF086;
	s6 =	sadd.s32 @!p0 s3, s7;
	s7 =	simm.s32 @!p0 $0x108  }
0x21: {  	s3 =	sadd.s32 s3, s9;
	s6 =	sadd.s32 @!p0 $0x88, s6;
	s7 =	simm.s32 @p2 $0x1082  }
0x22: {  	[simem:s7], [sflag:s8] =	dma.local @!p0 [hbm:s6], $0xF7A  }
0x23: {  	s9 =	sor.u32 $0xD0000000, s2;
	s6 =	simm.s32 $0x108;
	_ =	swait.ge @!p0 [sflag:s8], $0x0  }
0x24: {  	s3 =	sadd.s32 $0x88, s3;
	s6 =	simm.s32 @!p1 $0x1082;
	[sflag:s4] =	ssyncset.s32 $0xFFFFF086  }
0x25: {  	[simem:s6], [sflag:s4] =	dma.local [hbm:s3], $0xF7A  }
0x26: {  	[smem:$0x3F9C] =	sst s1;
	(tag) =	ssettag s2;
	_ =	strace s9  }
0x27: {  	s1 =	sld [smem:$0x3FAC]  }
0x28: {  	s2 =	sld [smem:$0x3FAD]  }
0x29: {  	s4 =	sld [smem:$0x3FAF]  }
0x2a: {  	p0 =	seq.s32 s5, $0x0;
	s5 =	sld [smem:$0x3FB0]  }
0x2b: {  	s6 =	sld [smem:$0x3FB1]  }
0x2c: {  	s7 =	sld [smem:$0x3FB2]  }
0x2d: {  	s3 =	simm.s32 $0x108;
	s8 =	sld [smem:$0x3FB3]  }
0x2e: {  	s3 =	simm.s32 @!p0 $0x1082;
	s9 =	sld [smem:$0x3FB4]  }
0x2f: {  	lr =	sadd.s32 s0, s3;
	s0 =	sld [smem:$0x3FAB]  }
0x30: {  	s3 =	sld [smem:$0x3FAE]  }
0x31: {  	[smem:$0x3FB7] =	sst s10  }
0x32: {  	s10 =	sld [smem:$0x3FB5];
	_ =	sdelay $0x3  }
0x33: {  	p0 =	seq.s32 s10, $0x1;
	s10 =	sld [smem:$0x3FB7];
	_ =	sdelay $0x3  }
0x34: {  	[smem:$0x3FB7] =	sst s10  }
0x35: {  	s10 =	sld [smem:$0x3FB6];
	_ =	sdelay $0x3  }
0x36: {  	p1 =	seq.s32 s10, $0x1;
	s10 =	sld [smem:$0x3FB7];
	_ =	sdelay $0x3  }
0x37: {  	[smem:$0x3FB7] =	sst s10  }
0x38: {  	s10 =	sld [smem:$0x3FB8]  }
0x39: {  	_ = 	snop;
	(pc) =	sbr.ind lr, $3  }
0x3a: {  	_ = 	snop  }
0x3b: {  	_ = 	snop  }
0x3c: {  	p2 =	seq.s32 s10, $0x1;
	s10 =	sld [smem:$0x3FB7]  }
0x3d: {  	_ =	shalt  }
0x3e: {  	_ =	shalt  }
0x3f: {  	_ =	shalt  }
0x40: {  	_ =	shalt  }
0x41: {  	_ =	shalt  }
0x42: {  	_ =	shalt  }
0x43: {  	_ =	shalt  }
0x44: {  	_ =	shalt  }
0x45: {  	_ =	shalt  }
0x46: {  	_ =	shalt  }
0x47: {  	_ =	shalt  }
0x48: {  	_ =	shalt  }
0x49: {  	_ =	shalt  }
0x4a: {  	_ =	shalt  }
0x4b: {  	_ =	shalt  }
0x4c: {  	_ =	shalt  }
0x4d: {  	_ =	shalt  }
0x4e: {  	_ =	shalt  }
0x4f: {  	_ =	shalt  }
0x50: {  	_ =	shalt  }
0x51: {  	_ =	shalt  }
0x52: {  	_ =	shalt  }
0x53: {  	_ =	shalt  }
0x54: {  	_ =	shalt  }
0x55: {  	_ =	shalt  }
0x56: {  	_ =	shalt  }
0x57: {  	_ =	shalt  }
0x58: {  	_ =	shalt  }
0x59: {  	_ =	shalt  }
0x5a: {  	_ =	shalt  }
0x5b: {  	_ =	shalt  }
0x5c: {  	_ =	shalt  }
0x5d: {  	_ =	shalt  }
0x5e: {  	_ =	shalt  }
0x5f: {  	_ =	shalt  }
0x60: {  	_ =	shalt  }
0x61: {  	_ =	shalt  }
0x62: {  	_ =	shalt  }
0x63: {  	_ =	shalt  }
0x64: {  	_ =	shalt  }
0x65: {  	_ =	shalt  }
0x66: {  	_ =	shalt  }
0x67: {  	_ =	shalt  }
0x68: {  	_ =	shalt  }
0x69: {  	_ =	shalt  }
0x6a: {  	_ =	shalt  }
0x6b: {  	_ =	shalt  }
0x6c: {  	_ =	shalt  }
0x6d: {  	_ =	shalt  }
0x6e: {  	_ =	shalt  }
0x6f: {  	_ =	shalt  }
0x70: {  	_ =	shalt  }
0x71: {  	_ =	shalt  }
0x72: {  	_ =	shalt  }
0x73: {  	_ =	shalt  }
0x74: {  	_ =	shalt  }
0x75: {  	_ =	shalt  }
0x76: {  	_ =	shalt  }
0x77: {  	_ =	shalt  }
0x78: {  	_ =	shalt  }
0x79: {  	_ =	shalt  }
0x7a: {  	_ =	shalt  }
0x7b: {  	_ =	shalt  }
0x7c: {  	_ =	shalt  }
0x7d: {  	_ =	shalt  }
0x7e: {  	_ =	shalt  }
0x7f: {  	_ =	shalt  }
0x80: {  	_ =	shalt  }
0x81: {  	_ =	shalt  }
0x82: {  	_ =	shalt  }
0x83: {  	_ =	shalt  }
0x84: {  	_ =	shalt  }
0x85: {  	_ =	shalt  }
0x86: {  	_ =	shalt  }
0x87: {  	_ =	shalt  }
.Lfunc_end0:
.L_simem_size_0:
called_computation.2_lowered:
.L_overlay_start_0:
0x88: {  	s2 =	sld [smem:$0x3FD9]  }
0x89: {  	s3 =	sld [smem:$0x3FFE];
	_ =	sdelay $0x1  }
0x8a: {  	s1 =	srdreg.scid  }
0x8b: {  	s0 =	sand.u32 $0x1, s1  }
0x8c: {  	s17 =	sshll.u32 s0, $0xA;
	s2 =	sadd.s32 s3, s2  }
0x8d: {  	s2 =	sadd.s32 s2, s17  }
0x8e: {  	[smem:$0x3FC3] =	sst s2  }
0x8f: {  	_ = 	snop  }
0x90: {  	s2 =	sld [smem:$0x3FD0];
	(tm) =	ssettm $0x1  }
0x91: {  	s18 =	sld [smem:$0x3FFB];
	_ =	sdelay $0x3  }
0x92: {  	_ =	strace s18  }
0x93: {  	s3 =	sld [smem:$0x3FFC];
	_ =	sdelay $0x3  }
0x94: {  	_ =	strace s3  }
0x95: {  	s3 =	sld [smem:$0x3FFD];
	_ =	sdelay $0x3  }
0x96: {  	_ =	strace s3  }
0x97: {  	_ =	strace $0x8FFFFFFF  }
0x98: {  	s19 =	sld [smem:$0x3FDB];
	_ =	sdelay $0x1  }
0x99: {  	s4 =	simm.s32 $_scs_section_size  }
0x9a: {  	s5 =	simm.s32 $_size__tile_overlayer_lowered;
	s6 =	simm.s32 $_tile_overlayer_lowered  }
0x9b: {  	s22 =	simm.s32 $0x1BFF;
	s21 =	sshll.u32 s6, $0x1;
	s3 =	sadd.s32 s4, s19  }
0x9c: {  	s7 =	simm.s32 $0x0;
	s20 =	sshll.u32 s5, $0x1;
	s5 =	sadd.s32 s21, s3  }
0x9d: {  	[timem:s7], [sflag:s22] =	dma.local [hbm:s5], s20  }
0x9e: {  	_ =	swait.ge [sflag:s22], s20  }
0x9f: {  	s4 =	ssub.s32 $0x0, s20;
	[sflag:s22] =	ssyncset.done $0x0  }
0xa0: {  	[sflag:s22] =	ssyncadd.s32 s4;
	_ =	sdelay $0x1  }
0xa1: {  	s23 =	simm.s32 $0x1B8B  }
0xa2: {  	_ =	swait.ge [sflag:s23], $0x1  }
0xa3: {  	[sflag:s23] =	ssyncset.done $0x0  }
0xa4: {  	s25 =	simm.s32 $0x1B8E;
	s24 =	sld [smem:$0x3FFE];
	[sflag:s23] =	ssyncadd.s32 $0xFFFFFFFF  }
0xa5: {  	s26 =	simm.s32 $execute0_lowered;
	[smem:$0x3FD2] =	sst s25  }
0xa6: {  	s5 =	sshll.u32 s26, $0x1;
	_ =	strace $0x8000004C;
	[dreg:$0x1] =	wrdreg $0xFFFFFFFF  }
0xa7: {  	s28 =	simm.s32 $_size_execute0_lowered;
	s3 =	sadd.s32 s3, s5;
	[dreg:$0x0] =	wrdreg $0x0  }
0xa8: {  	s5 =	sshll.u32 s28, $0x1;
	[dreg:$0x2] =	wrdreg s3  }
0xa9: {  	[dreg:$0x3] =	wrdreg s5  }
0xaa: {  	[dreg:$0x4] =	wrdreg $0xC0  }
0xab: {  	_ =	task [dreg:s7], $0x5FFFF  }
0xac: {  	[dreg:$0x1] =	wrdreg $0xFFFFFFFF  }
0xad: {  	[dreg:$0x0] =	wrdreg $0x60  }
0xae: {  	[dreg:$0x2] =	wrdreg s24  }
0xaf: {  	[dreg:$0x3] =	wrdreg s2  }
0xb0: {  	[dreg:$0x4] =	wrdreg $0x9  }
0xb1: {  	_ =	task.clear_ibuf [dreg:s7], $0x5FFFF;
	_ =	strace $0x9000004C  }
0xb2: {  	s29 =	simm.s32 $0x9;
	_ =	strace $0x8000004E  }
0xb3: {  	_ =	swait.ge [sflag:s29], $0x1  }
0xb4: {  	[sflag:s29] =	ssyncadd.s32 $0xFFFFFFFF  }
0xb5: {  	_ =	strace $0x9000004E  }
0xb6: {  	_ =	sfence  }
0xb7: {  	s30 =	sld [smem:$0x0];
	_ =	sdelay $0x2  }
0xb8: {  	s31 =	sshll.u32 s1, $0xD;
	s1 =	sshrl.u32 s1, $0x2  }
0xb9: {  	s3 =	sand.u32 $0x4000, s31;
	s1 =	sadd.s32 s1, s30  }
0xba: {  	s0 =	sor.u32 s3, s0;
	s1 =	sshll.u32 s1, $0x11  }
0xbb: {  	s0 =	sor.u32 s1, s0  }
0xbc: {  	s0 =	sadd.s32 $0x8F2B, s0  }
0xbd: {  	[sflag:s0] =	ssyncadd.remote.s32 $0x1  }
0xbe: {  	_ =	sfence.sel $0xFFFF  }
0xbf: {  	[dreg:$0x0] =	wrdreg $0xFFFFFFFF;
	(pc) =	sbr.abs _section_cstart, $3  }
0xc0: {  	[dreg:$0x1] =	wrdreg $0xFFFFFFFF  }
0xc1: {  	_ =	task.clear_ibuf [dreg:s7], $0x2FFFF;
	_ =	strace $0x9FFFFFFF  }
0xc2: {  	(tm) =	ssettm $0x7FFFFFFF  }
0xc3: {  	_ =	shalt  }
tec
execute0_lowered:
.L_overlay_start_1:
0x0: {  	(tag) =	ssettag $0x1  }
0x1: {  	s1 =	srdreg.scid;
	s0 =	stileid.u32  }
0x2: {  	s1 =	sand.u32 $0x1, s1;
	s4 =	sshll.u32 s0, $0x1  }
0x3: {  	s17 =	rddreg [dreg:$0x0];
	s4 =	sor.u32 s1, s4  }
0x4: {  	s2 =	rddreg [dreg:$0x1];
	s3 =	simm.s32 $0x0;
	s4 =	smul.u32 $0x28, s4  }
0x5: {  	[smem:$0x7FF] =	sst s3;
	s5 =	sadd.s32 $0x1600, s17;
	s25 =	sadd.s32 $0x1000, s17  }
0x6: {  	_ =	strace $0x8000004D;
	[dreg:$0x3] =	wrdreg s5;
	s4 =	sadd.s32 s4, s17  }
0x7: {  	[dreg:$0x4] =	wrdreg s25;
	s5 =	simm.s32 $0x3;
	s4 =	sadd.s32 $0x1E00, s4  }
0x8: {  	[tilespmem:s3], [sflag:$0x3] =	stream.linear.gather [hbm4b:s4+s3], $0x140, $0x38;
	[tilespmem:$0x14880] =	vst v63  }
0x9: {  	s6 =	sshll.u32 s0, $0x7;
	s7 =	sshll.u32 s1, $0x6;
	_ =	swait.ge [sflag:s5], $0x140  }
0xa: {  	s6 =	sor.u32 s7, s6;
	[sflag:s5] =	ssyncset.done $0x0  }
0xb: {  	s7 =	simm.s32 $0x180;
	s6 =	sadd.s32 s17, s6;
	[sflag:s5] =	ssyncadd.s32 $0xFFFFFEC0  }
0xc: {  	[tilespmem:s7], [sflag:$0x3] =	stream.linear.gather [hbm4b:s6+s3], $0x200, $0x38;
	[tilespmem:$0x14880] =	vst v63  }
0xd: {  	_ =	swait.ge [sflag:s5], $0x200  }
0xe: {  	[sflag:s5] =	ssyncset.done $0x0  }
0xf: {  	s9 =	simm.s32 $0x380;
	s8 =	sadd.s32 $0x800, s6;
	[sflag:s5] =	ssyncadd.s32 $0xFFFFFE00  }
0x10: {  	[tilespmem:s9], [sflag:$0x3] =	stream.linear.gather [hbm4b:s8+s3], $0x200, $0x38;
	[tilespmem:$0x14880] =	vst v63  }
0x11: {  	_ =	swait.ge [sflag:s5], $0x200  }
0x12: {  	s10 =	simm.s32 $0x140;
	[sflag:s5] =	ssyncset.done $0x0  }
0x13: {  	s11 =	simm.s32 $0x580;
	s12 =	rddreg [dreg:$0x3];
	[sflag:s5] =	ssyncadd.s32 $0xFFFFFE00  }
0x14: {  	[tilespmem:s11], [sflag:$0x1] =	stream.indirect.gather [hbm4b:s12+s10], $0x1, s3, s10, $0xb8;
	[tilespmem:$0x14880] =	vst v63  }
0x15: {  	s13 =	simm.s32 $0x1;
	s14 =	rddreg [dreg:$0x4];
	s12 =	simm.s32 $0x700  }
0x16: {  	[tilespmem:s12], [sflag:$0x2] =	stream.indirect.gather [hbm4b:s14+s10], $0x1, s3, s10, $0xb8;
	[tilespmem:$0x14880] =	vst v63  }
0x17: {  	_ =	swait.ge [sflag:s13], $0x140  }
0x18: {  	[sflag:s13] =	ssyncset.done $0x0  }
0x19: {  	s14 =	simm.s32 $0x2;
	[sflag:s13] =	ssyncadd.s32 $0xFFFFFEC0  }
0x1a: {  	_ =	swait.ge [sflag:s14], $0x140  }
0x1b: {  	[sflag:s14] =	ssyncset.done $0x0  }
0x1c: {  	s15 =	simm.s32 $0x880;
	[sflag:s14] =	ssyncadd.s32 $0xFFFFFEC0  }
0x1d: {  	[tilespmem:s15], [sflag:$0x1] =	stream.indirect.gather [hbm4b:s2+s10], $0x80, s11, s10, $0xb8;
	[tilespmem:$0x14880] =	vst v63  }
0x1e: {  	s16 =	simm.s32 $0xA880  }
0x1f: {  	[tilespmem:s16], [sflag:$0x2] =	stream.indirect.gather [hbm4b:s2+s10], $0x80, s12, s10, $0xb8;
	[tilespmem:$0x14880] =	vst v63  }
0x20: {  	_ =	swait.ge [sflag:s13], $0xA000  }
0x21: {  	[sflag:s13] =	ssyncset.done $0x0  }
0x22: {  	[sflag:s13] =	ssyncadd.s32 $0xFFFF6000  }
0x23: {  	_ =	swait.ge [sflag:s14], $0xA000  }
0x24: {  	[sflag:s14] =	ssyncset.done $0x0  }
0x25: {  	s18 =	simm.s32 $0x50;
	s17 =	sadd.s32 $0x2400, s17;
	[sflag:s14] =	ssyncadd.s32 $0xFFFF6000  }
0x26: {  	[hbm4b:s17+s18] =	stream.indirect.scatter [tilespmem:s15], [sflag:$0x1], $0x80, s7, s18, $0xb8;
	[tilespmem:$0x14880] =	vst v63  }
0x27: {  	_ = 	snop  }
0x28: {  	[hbm4b:s17+s18] =	stream.indirect.scatter [tilespmem:s16], [sflag:$0x2], $0x80, s9, s18, $0xb8;
	[tilespmem:$0x14880] =	vst v63  }
0x29: {  	s26 =	simm.s32 $0x200;
	s19 =	simm.s32 $0x3080  }
0x2a: {  	[hbm4b:s17+s18] =	stream.indirect.scatter [tilespmem:s19], [sflag:$0x1], $0x80, s26, s18, $0xb8;
	[tilespmem:$0x14880] =	vst v63  }
0x2b: {  	s21 =	simm.s32 $0x400;
	s22 =	simm.s32 $0xD080  }
0x2c: {  	[hbm4b:s17+s18] =	stream.indirect.scatter [tilespmem:s22], [sflag:$0x2], $0x80, s21, s18, $0xb8;
	[tilespmem:$0x14880] =	vst v63  }
0x2d: {  	s23 =	simm.s32 $0x280;
	s24 =	simm.s32 $0x5880  }
0x2e: {  	[hbm4b:s17+s18] =	stream.indirect.scatter [tilespmem:s24], [sflag:$0x1], $0x80, s23, s18, $0xb8;
	[tilespmem:$0x14880] =	vst v63  }
0x2f: {  	s25 =	simm.s32 $0x480;
	s26 =	simm.s32 $0xF880  }
0x30: {  	[hbm4b:s17+s18] =	stream.indirect.scatter [tilespmem:s26], [sflag:$0x2], $0x80, s25, s18, $0xb8;
	[tilespmem:$0x14880] =	vst v63  }
0x31: {  	s28 =	simm.s32 $0x300;
	s29 =	simm.s32 $0x8080  }
0x32: {  	[hbm4b:s17+s18] =	stream.indirect.scatter [tilespmem:s29], [sflag:$0x1], $0x80, s28, s18, $0xb8;
	[tilespmem:$0x14880] =	vst v63  }
0x33: {  	s30 =	simm.s32 $0x500;
	s31 =	simm.s32 $0x12080  }
0x34: {  	[hbm4b:s17+s18] =	stream.indirect.scatter [tilespmem:s31], [sflag:$0x2], $0x80, s30, s18, $0xb8;
	[tilespmem:$0x14880] =	vst v63  }
0x35: {  	_ =	swait.ge [sflag:s13], $0x2800  }
0x36: {  	[sflag:s13] =	ssyncset.done $0x0  }
0x37: {  	[sflag:s13] =	ssyncadd.s32 $0xFFFFD800  }
0x38: {  	_ =	swait.ge [sflag:s14], $0x2800  }
0x39: {  	[sflag:s14] =	ssyncset.done $0x0  }
0x3a: {  	[sflag:s14] =	ssyncadd.s32 $0xFFFFD800  }
0x3b: {  	_ =	swait.ge [sflag:s13], $0x2800  }
0x3c: {  	[sflag:s13] =	ssyncset.done $0x0  }
0x3d: {  	[sflag:s13] =	ssyncadd.s32 $0xFFFFD800  }
0x3e: {  	_ =	swait.ge [sflag:s14], $0x2800  }
0x3f: {  	[sflag:s14] =	ssyncset.done $0x0  }
0x40: {  	[sflag:s14] =	ssyncadd.s32 $0xFFFFD800  }
0x41: {  	_ =	swait.ge [sflag:s13], $0x2800  }
0x42: {  	s1 =	ssub.s32 $0x2, s1;
	[sflag:s13] =	ssyncset.done $0x0  }
0x43: {  	s19 =	sshrl.u32 s1, $0x1;
	[sflag:s13] =	ssyncadd.s32 $0xFFFFD800  }
0x44: {  	s0 =	ssub.s32 s1, s19;
	_ =	swait.ge [sflag:s14], $0x2800  }
0x45: {  	s0 =	smax.u32 s0, $0x1;
	[sflag:s14] =	ssyncset.done $0x0  }
0x46: {  	p0 =	sne.s32 s0, $0x1;
	[sflag:s14] =	ssyncadd.s32 $0xFFFFD800  }
.Ltmp0:
0x47: {  	_ =	swait.ge [sflag:s13], $0x2800;
	(pc) =	sbr.rel @!p0 .LBB2_2-.Ltmp0, $4  }
0x48: {  	[sflag:s13] =	ssyncset.done $0x0  }
0x49: {  	[sflag:s13] =	ssyncadd.s32 $0xFFFFD800  }
0x4a: {  	_ =	swait.ge [sflag:s14], $0x2800  }
0x4b: {  	s20 =	simm.s32 $0x3080;
	s1 =	sadd.s32 $0xFFFFFFFF, s0;
	[sflag:s14] =	ssyncset.done $0x0  }
.LBB2_1:
0x4c: {  	[sflag:s14] =	ssyncadd.s32 $0xFFFFD800  }
0x4d: {  	[tilespmem:s3], [sflag:$0x3] =	stream.linear.gather [hbm4b:s4+s3], $0x140, $0x38;
	[tilespmem:$0x14880] =	vst v63  }
0x4e: {  	_ =	swait.ge [sflag:s5], $0x140  }
0x4f: {  	[sflag:s5] =	ssyncset.done $0x0  }
0x50: {  	[sflag:s5] =	ssyncadd.s32 $0xFFFFFEC0  }
0x51: {  	[tilespmem:s7], [sflag:$0x3] =	stream.linear.gather [hbm4b:s6+s3], $0x200, $0x38;
	[tilespmem:$0x14880] =	vst v63  }
0x52: {  	_ =	swait.ge [sflag:s5], $0x200  }
0x53: {  	[sflag:s5] =	ssyncset.done $0x0  }
0x54: {  	[sflag:s5] =	ssyncadd.s32 $0xFFFFFE00  }
0x55: {  	[tilespmem:s9], [sflag:$0x3] =	stream.linear.gather [hbm4b:s8+s3], $0x200, $0x38;
	[tilespmem:$0x14880] =	vst v63  }
0x56: {  	_ =	swait.ge [sflag:s5], $0x200  }
0x57: {  	[sflag:s5] =	ssyncset.done $0x0  }
0x58: {  	s0 =	rddreg [dreg:$0x3];
	[sflag:s5] =	ssyncadd.s32 $0xFFFFFE00  }
0x59: {  	[tilespmem:s11], [sflag:$0x1] =	stream.indirect.gather [hbm4b:s0+s10], $0x1, s3, s10, $0xb8;
	[tilespmem:$0x14880] =	vst v63  }
0x5a: {  	s19 =	rddreg [dreg:$0x4]  }
0x5b: {  	[tilespmem:s12], [sflag:$0x2] =	stream.indirect.gather [hbm4b:s19+s10], $0x1, s3, s10, $0xb8;
	[tilespmem:$0x14880] =	vst v63  }
0x5c: {  	_ =	swait.ge [sflag:s13], $0x140  }
0x5d: {  	[sflag:s13] =	ssyncset.done $0x0  }
0x5e: {  	[sflag:s13] =	ssyncadd.s32 $0xFFFFFEC0  }
0x5f: {  	_ =	swait.ge [sflag:s14], $0x140  }
0x60: {  	[sflag:s14] =	ssyncset.done $0x0  }
0x61: {  	[sflag:s14] =	ssyncadd.s32 $0xFFFFFEC0  }
0x62: {  	[tilespmem:s15], [sflag:$0x1] =	stream.indirect.gather [hbm4b:s2+s10], $0x80, s11, s10, $0xb8;
	[tilespmem:$0x14880] =	vst v63  }
0x63: {  	_ = 	snop  }
0x64: {  	[tilespmem:s16], [sflag:$0x2] =	stream.indirect.gather [hbm4b:s2+s10], $0x80, s12, s10, $0xb8;
	[tilespmem:$0x14880] =	vst v63  }
0x65: {  	_ =	swait.ge [sflag:s13], $0xA000  }
0x66: {  	[sflag:s13] =	ssyncset.done $0x0  }
0x67: {  	[sflag:s13] =	ssyncadd.s32 $0xFFFF6000  }
0x68: {  	_ =	swait.ge [sflag:s14], $0xA000  }
0x69: {  	[sflag:s14] =	ssyncset.done $0x0  }
0x6a: {  	[sflag:s14] =	ssyncadd.s32 $0xFFFF6000  }
0x6b: {  	[hbm4b:s17+s18] =	stream.indirect.scatter [tilespmem:s15], [sflag:$0x1], $0x80, s7, s18, $0xb8;
	[tilespmem:$0x14880] =	vst v63  }
0x6c: {  	_ = 	snop  }
0x6d: {  	[hbm4b:s17+s18] =	stream.indirect.scatter [tilespmem:s16], [sflag:$0x2], $0x80, s9, s18, $0xb8;
	[tilespmem:$0x14880] =	vst v63  }
0x6e: {  	s19 =	simm.s32 $0x200  }
0x6f: {  	[hbm4b:s17+s18] =	stream.indirect.scatter [tilespmem:s20], [sflag:$0x1], $0x80, s19, s18, $0xb8;
	[tilespmem:$0x14880] =	vst v63  }
0x70: {  	_ = 	snop  }
0x71: {  	[hbm4b:s17+s18] =	stream.indirect.scatter [tilespmem:s22], [sflag:$0x2], $0x80, s21, s18, $0xb8;
	[tilespmem:$0x14880] =	vst v63  }
0x72: {  	_ = 	snop  }
0x73: {  	[hbm4b:s17+s18] =	stream.indirect.scatter [tilespmem:s24], [sflag:$0x1], $0x80, s23, s18, $0xb8;
	[tilespmem:$0x14880] =	vst v63  }
0x74: {  	_ = 	snop  }
0x75: {  	[hbm4b:s17+s18] =	stream.indirect.scatter [tilespmem:s26], [sflag:$0x2], $0x80, s25, s18, $0xb8;
	[tilespmem:$0x14880] =	vst v63  }
0x76: {  	_ = 	snop  }
0x77: {  	[hbm4b:s17+s18] =	stream.indirect.scatter [tilespmem:s29], [sflag:$0x1], $0x80, s28, s18, $0xb8;
	[tilespmem:$0x14880] =	vst v63  }
0x78: {  	_ = 	snop  }
0x79: {  	[hbm4b:s17+s18] =	stream.indirect.scatter [tilespmem:s31], [sflag:$0x2], $0x80, s30, s18, $0xb8;
	[tilespmem:$0x14880] =	vst v63  }
0x7a: {  	_ =	swait.ge [sflag:s13], $0x2800  }
0x7b: {  	[sflag:s13] =	ssyncset.done $0x0  }
0x7c: {  	[sflag:s13] =	ssyncadd.s32 $0xFFFFD800  }
0x7d: {  	_ =	swait.ge [sflag:s14], $0x2800  }
0x7e: {  	[sflag:s14] =	ssyncset.done $0x0  }
0x7f: {  	[sflag:s14] =	ssyncadd.s32 $0xFFFFD800  }
0x80: {  	_ =	swait.ge [sflag:s13], $0x2800  }
0x81: {  	[sflag:s13] =	ssyncset.done $0x0  }
0x82: {  	[sflag:s13] =	ssyncadd.s32 $0xFFFFD800  }
0x83: {  	_ =	swait.ge [sflag:s14], $0x2800  }
0x84: {  	[sflag:s14] =	ssyncset.done $0x0  }
0x85: {  	[sflag:s14] =	ssyncadd.s32 $0xFFFFD800  }
0x86: {  	_ =	swait.ge [sflag:s13], $0x2800  }
0x87: {  	[sflag:s13] =	ssyncset.done $0x0  }
0x88: {  	[sflag:s13] =	ssyncadd.s32 $0xFFFFD800  }
0x89: {  	_ =	swait.ge [sflag:s14], $0x2800  }
0x8a: {  	[sflag:s14] =	ssyncset.done $0x0  }
0x8b: {  	p0 =	sne.s32 s1, $0x1;
	[sflag:s14] =	ssyncadd.s32 $0xFFFFD800  }
.Ltmp1:
0x8c: {  	_ =	swait.ge [sflag:s13], $0x2800;
	(pc) =	sbr.rel @p0 .LBB2_1-.Ltmp1, $4  }
0x8d: {  	[sflag:s13] =	ssyncset.done $0x0  }
0x8e: {  	[sflag:s13] =	ssyncadd.s32 $0xFFFFD800  }
0x8f: {  	_ =	swait.ge [sflag:s14], $0x2800  }
0x90: {  	s1 =	sadd.s32 $0xFFFFFFFF, s1;
	[sflag:s14] =	ssyncset.done $0x0  }
.LBB2_2:
0x91: {  	[sflag:s14] =	ssyncadd.s32 $0xFFFFD800  }
0x92: {  	_ =	sfence.sel $0x180000  }
0x93: {  	[bflag:$0x0] =	sbarrier.arrive $0xFFFF  }
0x94: {  	_ =	strace $0x9000004D  }
0x95: {  	s0 =	stileid.u32;
	[bflag:$0x2] =	sbarrier.arrive $0xFFFF  }
0x96: {  	p0 =	sne.s32 s0, $0x0;
	s0 =	rddreg [dreg:$0x2]  }
0x97: {  	s0 =	sadd.s32 @!p0 $0x100000, s0  }
0x98: {  	[sflag:s0] =	ssyncadd.tile.s32 @!p0 $0x1;
	_ =	shalt  }
.Lfunc_end2:
_tile_overlayer_lowered:
.L_overlay_start_2:
0x99: {  	(tag) =	ssettag $0x2  }
0x9a: {  	s0 =	rddreg [dreg:$0x0];
	s2 =	stileid.u32  }
0x9b: {  	s1 =	rddreg [dreg:$0x1];
	p0 =	sne.s32 s2, $0x0  }
0x9c: {  	s3 =	rddreg [dreg:$0x2];
	[bflag:$0x3] =	sbarrier.arrive $0xFFFF;
	s2 =	simm.s32 @!p0 $0x1C03  }
0x9d: {  	[timem:s3], [sflag:s2] =	dma.local @!p0 [hbm:s0], s1  }
0x9e: {  	s0 =	simm.s32 @!p0 $0x3  }
0x9f: {  	_ =	swait.ge @!p0 [sflag:s0], s1  }
0xa0: {  	s1 =	ssub.s32 @!p0 $0x0, s1;
	[sflag:s0] =	ssyncset.done @!p0 $0x0  }
0xa1: {  	[sflag:s0] =	ssyncadd.s32 @!p0 s1  }
0xa2: {  	[bflag:$0x3] =	sbarrier.arrive $0xFFFF  }
0xa3: {  	_ =	shalt  }

// kernel: kernel.8.cloned.1.call-start
scs
__scs_entry_jumppad:
0x0: {  	(pc) =	sbr.rel $0x88, $3  }
0x1: {  	(tag) =	ssettag $0x0;
	lr =	simm.s32 $0x1  }
0x2: {  	[smem:$0x3F9C] =	sst lr;
	_ =	strace $0xD0000000  }
0x3: {  	_ = 	snop  }
0x4: {  	_ = 	snop  }
0x5: {  	_ = 	snop  }
0x6: {  	_ = 	snop  }
0x7: {  	_ = 	snop  }
__scs_overlays_trampoline_lowered:
0x8: {  	[smem:$0x3FAB] =	sst s0  }
0x9: {  	[smem:$0x3FAC] =	sst s1  }
0xa: {  	[smem:$0x3FAD] =	sst s2  }
0xb: {  	[smem:$0x3FAE] =	sst s3  }
0xc: {  	[smem:$0x3FAF] =	sst s4  }
0xd: {  	[smem:$0x3FB0] =	sst s5  }
0xe: {  	[smem:$0x3FB1] =	sst s6  }
0xf: {  	[smem:$0x3FB2] =	sst s7  }
0x10: {  	[smem:$0x3FB3] =	sst s8  }
0x11: {  	[smem:$0x3FB4] =	sst s9;
	s0 =	simm.s32 @!p0 $0x0  }
0x12: {  	s1 =	sld [smem:$0x3F9A];
	s0 =	simm.s32 @p0 $0x1  }
0x13: {  	[smem:$0x3FB5] =	sst s0;
	s0 =	simm.s32 @!p1 $0x0  }
0x14: {  	s2 =	sld [smem:$0x3F99];
	s0 =	simm.s32 @p1 $0x1  }
0x15: {  	[smem:$0x3FB6] =	sst s0;
	s0 =	simm.s32 @!p2 $0x0  }
0x16: {  	s3 =	sld [smem:$0x3FDB];
	s0 =	simm.s32 @p2 $0x1  }
0x17: {  	s4 =	simm.s32 $0x1BF5;
	[smem:$0x3FB8] =	sst s0  }
0x18: {  	s0 =	sld [smem:$0x3F9B];
	_ =	swait.ge [sflag:s4], $0x0  }
0x19: {  	s7 =	sld [smem:$0x3F9C]  }
0x1a: {  	s8 =	sadd.s32 $0xFFFFE003, lr  }
0x1b: {  	s9 =	sadd.s32 $0xFFFFFEF7, lr;
	s5 =	simm.s32 $0xFFFFFFFF;
	p2 =	slt.u32 s8, $0xFFFFF086  }
0x1c: {  	p1 =	slt.u32 s9, $0xF7A;
	s5 =	simm.s32 @!p2 $0x0  }
0x1d: {  	s5 =	simm.s32 @p1 $0x1;
	p0 =	seq.s32 s7, s2  }
0x1e: {  	s7 =	smul.u32 @!p0 $0xF7A, s2;
	p2 =	seq.s32 @!p0 s5, $0x0  }
0x1f: {  	s9 =	smul.u32 $0xF7A, s1;
	s8 =	simm.s32 @!p0 $0x1BF5;
	p2 =	por !p2, p0  }
0x20: {  	[sflag:s8] =	ssyncset.s32 @!p0 $0xFFFFF086;
	s6 =	sadd.s32 @!p0 s3, s7;
	s7 =	simm.s32 @!p0 $0x108  }
0x21: {  	s3 =	sadd.s32 s3, s9;
	s6 =	sadd.s32 @!p0 $0x88, s6;
	s7 =	simm.s32 @p2 $0x1082  }
0x22: {  	[simem:s7], [sflag:s8] =	dma.local @!p0 [hbm:s6], $0xF7A  }
0x23: {  	s9 =	sor.u32 $0xD0000000, s2;
	s6 =	simm.s32 $0x108;
	_ =	swait.ge @!p0 [sflag:s8], $0x0  }
0x24: {  	s3 =	sadd.s32 $0x88, s3;
	s6 =	simm.s32 @!p1 $0x1082;
	[sflag:s4] =	ssyncset.s32 $0xFFFFF086  }
0x25: {  	[simem:s6], [sflag:s4] =	dma.local [hbm:s3], $0xF7A  }
0x26: {  	[smem:$0x3F9C] =	sst s1;
	(tag) =	ssettag s2;
	_ =	strace s9  }
0x27: {  	s1 =	sld [smem:$0x3FAC]  }
0x28: {  	s2 =	sld [smem:$0x3FAD]  }
0x29: {  	s4 =	sld [smem:$0x3FAF]  }
0x2a: {  	p0 =	seq.s32 s5, $0x0;
	s5 =	sld [smem:$0x3FB0]  }
0x2b: {  	s6 =	sld [smem:$0x3FB1]  }
0x2c: {  	s7 =	sld [smem:$0x3FB2]  }
0x2d: {  	s3 =	simm.s32 $0x108;
	s8 =	sld [smem:$0x3FB3]  }
0x2e: {  	s3 =	simm.s32 @!p0 $0x1082;
	s9 =	sld [smem:$0x3FB4]  }
0x2f: {  	lr =	sadd.s32 s0, s3;
	s0 =	sld [smem:$0x3FAB]  }
0x30: {  	s3 =	sld [smem:$0x3FAE]  }
0x31: {  	[smem:$0x3FB7] =	sst s10  }
0x32: {  	s10 =	sld [smem:$0x3FB5];
	_ =	sdelay $0x3  }
0x33: {  	p0 =	seq.s32 s10, $0x1;
	s10 =	sld [smem:$0x3FB7];
	_ =	sdelay $0x3  }
0x34: {  	[smem:$0x3FB7] =	sst s10  }
0x35: {  	s10 =	sld [smem:$0x3FB6];
	_ =	sdelay $0x3  }
0x36: {  	p1 =	seq.s32 s10, $0x1;
	s10 =	sld [smem:$0x3FB7];
	_ =	sdelay $0x3  }
0x37: {  	[smem:$0x3FB7] =	sst s10  }
0x38: {  	s10 =	sld [smem:$0x3FB8]  }
0x39: {  	_ = 	snop;
	(pc) =	sbr.ind lr, $3  }
0x3a: {  	_ = 	snop  }
0x3b: {  	_ = 	snop  }
0x3c: {  	p2 =	seq.s32 s10, $0x1;
	s10 =	sld [smem:$0x3FB7]  }
0x3d: {  	_ =	shalt  }
0x3e: {  	_ =	shalt  }
0x3f: {  	_ =	shalt  }
0x40: {  	_ =	shalt  }
0x41: {  	_ =	shalt  }
0x42: {  	_ =	shalt  }
0x43: {  	_ =	shalt  }
0x44: {  	_ =	shalt  }
0x45: {  	_ =	shalt  }
0x46: {  	_ =	shalt  }
0x47: {  	_ =	shalt  }
0x48: {  	_ =	shalt  }
0x49: {  	_ =	shalt  }
0x4a: {  	_ =	shalt  }
0x4b: {  	_ =	shalt  }
0x4c: {  	_ =	shalt  }
0x4d: {  	_ =	shalt  }
0x4e: {  	_ =	shalt  }
0x4f: {  	_ =	shalt  }
0x50: {  	_ =	shalt  }
0x51: {  	_ =	shalt  }
0x52: {  	_ =	shalt  }
0x53: {  	_ =	shalt  }
0x54: {  	_ =	shalt  }
0x55: {  	_ =	shalt  }
0x56: {  	_ =	shalt  }
0x57: {  	_ =	shalt  }
0x58: {  	_ =	shalt  }
0x59: {  	_ =	shalt  }
0x5a: {  	_ =	shalt  }
0x5b: {  	_ =	shalt  }
0x5c: {  	_ =	shalt  }
0x5d: {  	_ =	shalt  }
0x5e: {  	_ =	shalt  }
0x5f: {  	_ =	shalt  }
0x60: {  	_ =	shalt  }
0x61: {  	_ =	shalt  }
0x62: {  	_ =	shalt  }
0x63: {  	_ =	shalt  }
0x64: {  	_ =	shalt  }
0x65: {  	_ =	shalt  }
0x66: {  	_ =	shalt  }
0x67: {  	_ =	shalt  }
0x68: {  	_ =	shalt  }
0x69: {  	_ =	shalt  }
0x6a: {  	_ =	shalt  }
0x6b: {  	_ =	shalt  }
0x6c: {  	_ =	shalt  }
0x6d: {  	_ =	shalt  }
0x6e: {  	_ =	shalt  }
0x6f: {  	_ =	shalt  }
0x70: {  	_ =	shalt  }
0x71: {  	_ =	shalt  }
0x72: {  	_ =	shalt  }
0x73: {  	_ =	shalt  }
0x74: {  	_ =	shalt  }
0x75: {  	_ =	shalt  }
0x76: {  	_ =	shalt  }
0x77: {  	_ =	shalt  }
0x78: {  	_ =	shalt  }
0x79: {  	_ =	shalt  }
0x7a: {  	_ =	shalt  }
0x7b: {  	_ =	shalt  }
0x7c: {  	_ =	shalt  }
0x7d: {  	_ =	shalt  }
0x7e: {  	_ =	shalt  }
0x7f: {  	_ =	shalt  }
0x80: {  	_ =	shalt  }
0x81: {  	_ =	shalt  }
0x82: {  	_ =	shalt  }
0x83: {  	_ =	shalt  }
0x84: {  	_ =	shalt  }
0x85: {  	_ =	shalt  }
0x86: {  	_ =	shalt  }
0x87: {  	_ =	shalt  }
.Lfunc_end0:
.L_simem_size_0:
called_computation.3_lowered:
.L_overlay_start_0:
0x88: {  	s2 =	sld [smem:$0x3FD9]  }
0x89: {  	s3 =	sld [smem:$0x3FFE];
	_ =	sdelay $0x1  }
0x8a: {  	s1 =	srdreg.scid  }
0x8b: {  	s0 =	sand.u32 $0x1, s1  }
0x8c: {  	s17 =	sshll.u32 s0, $0xA;
	s2 =	sadd.s32 s3, s2  }
0x8d: {  	s2 =	sadd.s32 s2, s17  }
0x8e: {  	[smem:$0x3FC3] =	sst s2  }
0x8f: {  	_ = 	snop  }
0x90: {  	s2 =	sld [smem:$0x3FD0];
	(tm) =	ssettm $0x1  }
0x91: {  	s18 =	sld [smem:$0x3FFB];
	_ =	sdelay $0x3  }
0x92: {  	_ =	strace s18  }
0x93: {  	s3 =	sld [smem:$0x3FFC];
	_ =	sdelay $0x3  }
0x94: {  	_ =	strace s3  }
0x95: {  	s3 =	sld [smem:$0x3FFD];
	_ =	sdelay $0x3  }
0x96: {  	_ =	strace s3  }
0x97: {  	_ =	strace $0x8FFFFFFF  }
0x98: {  	s19 =	sld [smem:$0x3FDB];
	_ =	sdelay $0x1  }
0x99: {  	s4 =	simm.s32 $_scs_section_size  }
0x9a: {  	s5 =	simm.s32 $_size__tile_overlayer_lowered;
	s6 =	simm.s32 $_tile_overlayer_lowered  }
0x9b: {  	s22 =	simm.s32 $0x1BFF;
	s21 =	sshll.u32 s6, $0x1;
	s3 =	sadd.s32 s4, s19  }
0x9c: {  	s7 =	simm.s32 $0x0;
	s20 =	sshll.u32 s5, $0x1;
	s5 =	sadd.s32 s21, s3  }
0x9d: {  	[timem:s7], [sflag:s22] =	dma.local [hbm:s5], s20  }
0x9e: {  	_ =	swait.ge [sflag:s22], s20  }
0x9f: {  	s4 =	ssub.s32 $0x0, s20;
	[sflag:s22] =	ssyncset.done $0x0  }
0xa0: {  	[sflag:s22] =	ssyncadd.s32 s4;
	_ =	sdelay $0x1  }
0xa1: {  	s23 =	simm.s32 $0x1B8B  }
0xa2: {  	_ =	swait.ge [sflag:s23], $0x1  }
0xa3: {  	[sflag:s23] =	ssyncset.done $0x0  }
0xa4: {  	s25 =	simm.s32 $0x1B8E;
	s24 =	sld [smem:$0x3FFE];
	[sflag:s23] =	ssyncadd.s32 $0xFFFFFFFF  }
0xa5: {  	s26 =	simm.s32 $execute0_lowered;
	[smem:$0x3FD2] =	sst s25  }
0xa6: {  	s5 =	sshll.u32 s26, $0x1;
	_ =	strace $0x8000004F;
	[dreg:$0x1] =	wrdreg $0xFFFFFFFF  }
0xa7: {  	s28 =	simm.s32 $_size_execute0_lowered;
	s3 =	sadd.s32 s3, s5;
	[dreg:$0x0] =	wrdreg $0x0  }
0xa8: {  	s5 =	sshll.u32 s28, $0x1;
	[dreg:$0x2] =	wrdreg s3  }
0xa9: {  	[dreg:$0x3] =	wrdreg s5  }
0xaa: {  	[dreg:$0x4] =	wrdreg $0xC0  }
0xab: {  	_ =	task [dreg:s7], $0x5FFFF  }
0xac: {  	[dreg:$0x1] =	wrdreg $0xFFFFFFFF  }
0xad: {  	[dreg:$0x0] =	wrdreg $0x60  }
0xae: {  	[dreg:$0x2] =	wrdreg s24  }
0xaf: {  	[dreg:$0x3] =	wrdreg s2  }
0xb0: {  	[dreg:$0x4] =	wrdreg $0x9  }
0xb1: {  	_ =	task.clear_ibuf [dreg:s7], $0x5FFFF;
	_ =	strace $0x9000004F  }
0xb2: {  	s29 =	simm.s32 $0x9;
	_ =	strace $0x80000051  }
0xb3: {  	_ =	swait.ge [sflag:s29], $0x1  }
0xb4: {  	[sflag:s29] =	ssyncadd.s32 $0xFFFFFFFF  }
0xb5: {  	_ =	strace $0x90000051  }
0xb6: {  	_ =	sfence  }
0xb7: {  	s30 =	sld [smem:$0x0];
	_ =	sdelay $0x2  }
0xb8: {  	s31 =	sshll.u32 s1, $0xD;
	s1 =	sshrl.u32 s1, $0x2  }
0xb9: {  	s3 =	sand.u32 $0x4000, s31;
	s1 =	sadd.s32 s1, s30  }
0xba: {  	s0 =	sor.u32 s3, s0;
	s1 =	sshll.u32 s1, $0x11  }
0xbb: {  	s0 =	sor.u32 s1, s0  }
0xbc: {  	s0 =	sadd.s32 $0x8F2B, s0  }
0xbd: {  	[sflag:s0] =	ssyncadd.remote.s32 $0x1  }
0xbe: {  	_ =	sfence.sel $0xFFFF  }
0xbf: {  	[dreg:$0x0] =	wrdreg $0xFFFFFFFF;
	(pc) =	sbr.abs _section_cstart, $3  }
0xc0: {  	[dreg:$0x1] =	wrdreg $0xFFFFFFFF  }
0xc1: {  	_ =	task.clear_ibuf [dreg:s7], $0x2FFFF;
	_ =	strace $0x9FFFFFFF  }
0xc2: {  	(tm) =	ssettm $0x7FFFFFFF  }
0xc3: {  	_ =	shalt  }
tec
execute0_lowered:
.L_overlay_start_1:
0x0: {  	(tag) =	ssettag $0x1  }
0x1: {  	s1 =	srdreg.scid  }
0x2: {  	s9 =	rddreg [dreg:$0x0];
	s0 =	stileid.u32  }
0x3: {  	s2 =	rddreg [dreg:$0x1];
	s3 =	simm.s32 $0x0;
	s1 =	sand.u32 $0x1, s1  }
0x4: {  	s25 =	simm.s32 $0x80;
	s4 =	sshll.u32 s0, $0x7;
	s5 =	sshll.u32 s1, $0x6  }
0x5: {  	s6 =	simm.s32 $0x280;
	[smem:$0x7FF] =	sst s3;
	s4 =	sor.u32 s5, s4  }
0x6: {  	_ =	strace $0x80000050;
	[dreg:$0x6] =	wrdreg s25;
	s4 =	sadd.s32 s9, s4  }
0x7: {  	[dreg:$0x7] =	wrdreg s6;
	s22 =	sadd.s32 $0x800, s4  }
0x8: {  	[tilespmem:s3], [sflag:$0x3] =	stream.linear.gather [hbm4b:s4+s3], $0x200, $0x38;
	[tilespmem:$0x14800] =	vst v63  }
0x9: {  	s23 =	sadd.s32 $0xA6C00, s4;
	[dreg:$0x3] =	wrdreg s22  }
0xa: {  	s24 =	sadd.s32 $0xA7400, s4;
	[dreg:$0x4] =	wrdreg s23  }
0xb: {  	s5 =	simm.s32 $0x3;
	[dreg:$0x5] =	wrdreg s24  }
0xc: {  	_ =	swait.ge [sflag:s5], $0x200  }
0xd: {  	[sflag:s5] =	ssyncset.done $0x0  }
0xe: {  	s6 =	simm.s32 $0x200;
	s7 =	rddreg [dreg:$0x3];
	[sflag:s5] =	ssyncadd.s32 $0xFFFFFE00  }
0xf: {  	[tilespmem:s6], [sflag:$0x3] =	stream.linear.gather [hbm4b:s7+s3], $0x200, $0x38;
	[tilespmem:$0x14800] =	vst v63  }
0x10: {  	_ =	swait.ge [sflag:s5], $0x200  }
0x11: {  	[sflag:s5] =	ssyncset.done $0x0  }
0x12: {  	s7 =	simm.s32 $0x400;
	s8 =	rddreg [dreg:$0x4];
	[sflag:s5] =	ssyncadd.s32 $0xFFFFFE00  }
0x13: {  	[tilespmem:s7], [sflag:$0x3] =	stream.linear.gather [hbm4b:s8+s3], $0x200, $0x38;
	[tilespmem:$0x14800] =	vst v63  }
0x14: {  	_ =	swait.ge [sflag:s5], $0x200  }
0x15: {  	[sflag:s5] =	ssyncset.done $0x0  }
0x16: {  	s8 =	simm.s32 $0x600;
	s10 =	rddreg [dreg:$0x5];
	[sflag:s5] =	ssyncadd.s32 $0xFFFFFE00  }
0x17: {  	[tilespmem:s8], [sflag:$0x3] =	stream.linear.gather [hbm4b:s10+s3], $0x200, $0x38;
	[tilespmem:$0x14800] =	vst v63  }
0x18: {  	_ =	swait.ge [sflag:s5], $0x200  }
0x19: {  	s11 =	simm.s32 $0x800;
	[sflag:s5] =	ssyncset.done $0x0  }
0x1a: {  	s9 =	sadd.s32 $0x1000, s9;
	s10 =	simm.s32 $0x50;
	[sflag:s5] =	ssyncadd.s32 $0xFFFFFE00  }
0x1b: {  	[tilespmem:s11], [sflag:$0x1] =	stream.indirect.gather [hbm4b:s9+s10], $0x80, s3, s10, $0xb8;
	[tilespmem:$0x14800] =	vst v63  }
0x1c: {  	s12 =	simm.s32 $0xA800  }
0x1d: {  	[tilespmem:s12], [sflag:$0x2] =	stream.indirect.gather [hbm4b:s9+s10], $0x80, s6, s10, $0xb8;
	[tilespmem:$0x14800] =	vst v63  }
0x1e: {  	s13 =	simm.s32 $0x3000;
	s14 =	rddreg [dreg:$0x6]  }
0x1f: {  	[tilespmem:s13], [sflag:$0x1] =	stream.indirect.gather [hbm4b:s9+s10], $0x80, s14, s10, $0xb8;
	[tilespmem:$0x14800] =	vst v63  }
0x20: {  	s15 =	rddreg [dreg:$0x7];
	s14 =	simm.s32 $0xD000  }
0x21: {  	[tilespmem:s14], [sflag:$0x2] =	stream.indirect.gather [hbm4b:s9+s10], $0x80, s15, s10, $0xb8;
	[tilespmem:$0x14800] =	vst v63  }
0x22: {  	s26 =	simm.s32 $0x100;
	s16 =	simm.s32 $0x5800  }
0x23: {  	[tilespmem:s16], [sflag:$0x1] =	stream.indirect.gather [hbm4b:s9+s10], $0x80, s26, s10, $0xb8;
	[tilespmem:$0x14800] =	vst v63  }
0x24: {  	s17 =	simm.s32 $0x300;
	s18 =	simm.s32 $0xF800  }
0x25: {  	[tilespmem:s18], [sflag:$0x2] =	stream.indirect.gather [hbm4b:s9+s10], $0x80, s17, s10, $0xb8;
	[tilespmem:$0x14800] =	vst v63  }
0x26: {  	s19 =	simm.s32 $0x180;
	s20 =	simm.s32 $0x8000  }
0x27: {  	[tilespmem:s20], [sflag:$0x1] =	stream.indirect.gather [hbm4b:s9+s10], $0x80, s19, s10, $0xb8;
	[tilespmem:$0x14800] =	vst v63  }
0x28: {  	s21 =	simm.s32 $0x380;
	s22 =	simm.s32 $0x12000;
	s23 =	simm.s32 $0x1  }
0x29: {  	[tilespmem:s22], [sflag:$0x2] =	stream.indirect.gather [hbm4b:s9+s10], $0x80, s21, s10, $0xb8;
	[tilespmem:$0x14800] =	vst v63  }
0x2a: {  	_ =	swait.ge [sflag:s23], $0x2800  }
0x2b: {  	[sflag:s23] =	ssyncset.done $0x0  }
0x2c: {  	s24 =	simm.s32 $0x2;
	[sflag:s23] =	ssyncadd.s32 $0xFFFFD800  }
0x2d: {  	_ =	swait.ge [sflag:s24], $0x2800  }
0x2e: {  	[sflag:s24] =	ssyncset.done $0x0  }
0x2f: {  	[sflag:s24] =	ssyncadd.s32 $0xFFFFD800  }
0x30: {  	_ =	swait.ge [sflag:s23], $0x2800  }
0x31: {  	[sflag:s23] =	ssyncset.done $0x0  }
0x32: {  	[sflag:s23] =	ssyncadd.s32 $0xFFFFD800  }
0x33: {  	_ =	swait.ge [sflag:s24], $0x2800  }
0x34: {  	[sflag:s24] =	ssyncset.done $0x0  }
0x35: {  	[sflag:s24] =	ssyncadd.s32 $0xFFFFD800  }
0x36: {  	_ =	swait.ge [sflag:s23], $0x2800  }
0x37: {  	[sflag:s23] =	ssyncset.done $0x0  }
0x38: {  	[sflag:s23] =	ssyncadd.s32 $0xFFFFD800  }
0x39: {  	_ =	swait.ge [sflag:s24], $0x2800  }
0x3a: {  	[sflag:s24] =	ssyncset.done $0x0  }
0x3b: {  	[sflag:s24] =	ssyncadd.s32 $0xFFFFD800  }
0x3c: {  	_ =	swait.ge [sflag:s23], $0x2800  }
0x3d: {  	[sflag:s23] =	ssyncset.done $0x0  }
0x3e: {  	[sflag:s23] =	ssyncadd.s32 $0xFFFFD800  }
0x3f: {  	_ =	swait.ge [sflag:s24], $0x2800  }
0x40: {  	[sflag:s24] =	ssyncset.done $0x0  }
0x41: {  	[sflag:s24] =	ssyncadd.s32 $0xFFFFD800  }
0x42: {  	[hbm4b:s2+s10] =	stream.indirect.scatter [tilespmem:s11], [sflag:$0x1], $0x80, s7, s10, $0xb8;
	[tilespmem:$0x14800] =	vst v63  }
0x43: {  	_ = 	snop  }
0x44: {  	[hbm4b:s2+s10] =	stream.indirect.scatter [tilespmem:s12], [sflag:$0x2], $0x80, s8, s10, $0xb8;
	[tilespmem:$0x14800] =	vst v63  }
0x45: {  	s25 =	simm.s32 $0x480  }
0x46: {  	[hbm4b:s2+s10] =	stream.indirect.scatter [tilespmem:s13], [sflag:$0x1], $0x80, s25, s10, $0xb8;
	[tilespmem:$0x14800] =	vst v63  }
0x47: {  	s26 =	simm.s32 $0x680  }
0x48: {  	[hbm4b:s2+s10] =	stream.indirect.scatter [tilespmem:s14], [sflag:$0x2], $0x80, s26, s10, $0xb8;
	[tilespmem:$0x14800] =	vst v63  }
0x49: {  	s28 =	simm.s32 $0x500  }
0x4a: {  	[hbm4b:s2+s10] =	stream.indirect.scatter [tilespmem:s16], [sflag:$0x1], $0x80, s28, s10, $0xb8;
	[tilespmem:$0x14800] =	vst v63  }
0x4b: {  	s29 =	simm.s32 $0x700  }
0x4c: {  	[hbm4b:s2+s10] =	stream.indirect.scatter [tilespmem:s18], [sflag:$0x2], $0x80, s29, s10, $0xb8;
	[tilespmem:$0x14800] =	vst v63  }
0x4d: {  	s30 =	simm.s32 $0x580  }
0x4e: {  	[hbm4b:s2+s10] =	stream.indirect.scatter [tilespmem:s20], [sflag:$0x1], $0x80, s30, s10, $0xb8;
	[tilespmem:$0x14800] =	vst v63  }
0x4f: {  	s31 =	simm.s32 $0x780  }
0x50: {  	[hbm4b:s2+s10] =	stream.indirect.scatter [tilespmem:s22], [sflag:$0x2], $0x80, s31, s10, $0xb8;
	[tilespmem:$0x14800] =	vst v63  }
0x51: {  	_ =	swait.ge [sflag:s23], $0x2800  }
0x52: {  	[sflag:s23] =	ssyncset.done $0x0  }
0x53: {  	[sflag:s23] =	ssyncadd.s32 $0xFFFFD800  }
0x54: {  	_ =	swait.ge [sflag:s24], $0x2800  }
0x55: {  	[sflag:s24] =	ssyncset.done $0x0  }
0x56: {  	[sflag:s24] =	ssyncadd.s32 $0xFFFFD800  }
0x57: {  	_ =	swait.ge [sflag:s23], $0x2800  }
0x58: {  	[sflag:s23] =	ssyncset.done $0x0  }
0x59: {  	[sflag:s23] =	ssyncadd.s32 $0xFFFFD800  }
0x5a: {  	_ =	swait.ge [sflag:s24], $0x2800  }
0x5b: {  	[sflag:s24] =	ssyncset.done $0x0  }
0x5c: {  	[sflag:s24] =	ssyncadd.s32 $0xFFFFD800  }
0x5d: {  	_ =	swait.ge [sflag:s23], $0x2800  }
0x5e: {  	s1 =	ssub.s32 $0x2, s1;
	[sflag:s23] =	ssyncset.done $0x0  }
0x5f: {  	s15 =	sshrl.u32 s1, $0x1;
	[sflag:s23] =	ssyncadd.s32 $0xFFFFD800  }
0x60: {  	s0 =	ssub.s32 s1, s15;
	_ =	swait.ge [sflag:s24], $0x2800  }
0x61: {  	s0 =	smax.u32 s0, $0x1;
	[sflag:s24] =	ssyncset.done $0x0  }
0x62: {  	p0 =	sne.s32 s0, $0x1;
	[sflag:s24] =	ssyncadd.s32 $0xFFFFD800  }
.Ltmp0:
0x63: {  	_ =	swait.ge [sflag:s23], $0x2800;
	(pc) =	sbr.rel @!p0 .LBB2_2-.Ltmp0, $4  }
0x64: {  	[sflag:s23] =	ssyncset.done $0x0  }
0x65: {  	[sflag:s23] =	ssyncadd.s32 $0xFFFFD800  }
0x66: {  	_ =	swait.ge [sflag:s24], $0x2800  }
0x67: {  	s1 =	sadd.s32 $0xFFFFFFFF, s0;
	[sflag:s24] =	ssyncset.done $0x0  }
.LBB2_1:
0x68: {  	[sflag:s24] =	ssyncadd.s32 $0xFFFFD800  }
0x69: {  	[tilespmem:s3], [sflag:$0x3] =	stream.linear.gather [hbm4b:s4+s3], $0x200, $0x38;
	[tilespmem:$0x14800] =	vst v63  }
0x6a: {  	_ =	swait.ge [sflag:s5], $0x200  }
0x6b: {  	[sflag:s5] =	ssyncset.done $0x0  }
0x6c: {  	s0 =	rddreg [dreg:$0x3];
	[sflag:s5] =	ssyncadd.s32 $0xFFFFFE00  }
0x6d: {  	[tilespmem:s6], [sflag:$0x3] =	stream.linear.gather [hbm4b:s0+s3], $0x200, $0x38;
	[tilespmem:$0x14800] =	vst v63  }
0x6e: {  	_ =	swait.ge [sflag:s5], $0x200  }
0x6f: {  	[sflag:s5] =	ssyncset.done $0x0  }
0x70: {  	s15 =	rddreg [dreg:$0x4];
	[sflag:s5] =	ssyncadd.s32 $0xFFFFFE00  }
0x71: {  	[tilespmem:s7], [sflag:$0x3] =	stream.linear.gather [hbm4b:s15+s3], $0x200, $0x38;
	[tilespmem:$0x14800] =	vst v63  }
0x72: {  	_ =	swait.ge [sflag:s5], $0x200  }
0x73: {  	[sflag:s5] =	ssyncset.done $0x0  }
0x74: {  	s15 =	rddreg [dreg:$0x5];
	[sflag:s5] =	ssyncadd.s32 $0xFFFFFE00  }
0x75: {  	[tilespmem:s8], [sflag:$0x3] =	stream.linear.gather [hbm4b:s15+s3], $0x200, $0x38;
	[tilespmem:$0x14800] =	vst v63  }
0x76: {  	_ =	swait.ge [sflag:s5], $0x200  }
0x77: {  	[sflag:s5] =	ssyncset.done $0x0  }
0x78: {  	[sflag:s5] =	ssyncadd.s32 $0xFFFFFE00  }
0x79: {  	[tilespmem:s11], [sflag:$0x1] =	stream.indirect.gather [hbm4b:s9+s10], $0x80, s3, s10, $0xb8;
	[tilespmem:$0x14800] =	vst v63  }
0x7a: {  	_ = 	snop  }
0x7b: {  	[tilespmem:s12], [sflag:$0x2] =	stream.indirect.gather [hbm4b:s9+s10], $0x80, s6, s10, $0xb8;
	[tilespmem:$0x14800] =	vst v63  }
0x7c: {  	s0 =	rddreg [dreg:$0x6]  }
0x7d: {  	[tilespmem:s13], [sflag:$0x1] =	stream.indirect.gather [hbm4b:s9+s10], $0x80, s0, s10, $0xb8;
	[tilespmem:$0x14800] =	vst v63  }
0x7e: {  	s15 =	rddreg [dreg:$0x7]  }
0x7f: {  	[tilespmem:s14], [sflag:$0x2] =	stream.indirect.gather [hbm4b:s9+s10], $0x80, s15, s10, $0xb8;
	[tilespmem:$0x14800] =	vst v63  }
0x80: {  	s15 =	simm.s32 $0x100  }
0x81: {  	[tilespmem:s16], [sflag:$0x1] =	stream.indirect.gather [hbm4b:s9+s10], $0x80, s15, s10, $0xb8;
	[tilespmem:$0x14800] =	vst v63  }
0x82: {  	_ = 	snop  }
0x83: {  	[tilespmem:s18], [sflag:$0x2] =	stream.indirect.gather [hbm4b:s9+s10], $0x80, s17, s10, $0xb8;
	[tilespmem:$0x14800] =	vst v63  }
0x84: {  	_ = 	snop  }
0x85: {  	[tilespmem:s20], [sflag:$0x1] =	stream.indirect.gather [hbm4b:s9+s10], $0x80, s19, s10, $0xb8;
	[tilespmem:$0x14800] =	vst v63  }
0x86: {  	_ = 	snop  }
0x87: {  	[tilespmem:s22], [sflag:$0x2] =	stream.indirect.gather [hbm4b:s9+s10], $0x80, s21, s10, $0xb8;
	[tilespmem:$0x14800] =	vst v63  }
0x88: {  	_ =	swait.ge [sflag:s23], $0x2800  }
0x89: {  	[sflag:s23] =	ssyncset.done $0x0  }
0x8a: {  	[sflag:s23] =	ssyncadd.s32 $0xFFFFD800  }
0x8b: {  	_ =	swait.ge [sflag:s24], $0x2800  }
0x8c: {  	[sflag:s24] =	ssyncset.done $0x0  }
0x8d: {  	[sflag:s24] =	ssyncadd.s32 $0xFFFFD800  }
0x8e: {  	_ =	swait.ge [sflag:s23], $0x2800  }
0x8f: {  	[sflag:s23] =	ssyncset.done $0x0  }
0x90: {  	[sflag:s23] =	ssyncadd.s32 $0xFFFFD800  }
0x91: {  	_ =	swait.ge [sflag:s24], $0x2800  }
0x92: {  	[sflag:s24] =	ssyncset.done $0x0  }
0x93: {  	[sflag:s24] =	ssyncadd.s32 $0xFFFFD800  }
0x94: {  	_ =	swait.ge [sflag:s23], $0x2800  }
0x95: {  	[sflag:s23] =	ssyncset.done $0x0  }
0x96: {  	[sflag:s23] =	ssyncadd.s32 $0xFFFFD800  }
0x97: {  	_ =	swait.ge [sflag:s24], $0x2800  }
0x98: {  	[sflag:s24] =	ssyncset.done $0x0  }
0x99: {  	[sflag:s24] =	ssyncadd.s32 $0xFFFFD800  }
0x9a: {  	_ =	swait.ge [sflag:s23], $0x2800  }
0x9b: {  	[sflag:s23] =	ssyncset.done $0x0  }
0x9c: {  	[sflag:s23] =	ssyncadd.s32 $0xFFFFD800  }
0x9d: {  	_ =	swait.ge [sflag:s24], $0x2800  }
0x9e: {  	[sflag:s24] =	ssyncset.done $0x0  }
0x9f: {  	[sflag:s24] =	ssyncadd.s32 $0xFFFFD800  }
0xa0: {  	[hbm4b:s2+s10] =	stream.indirect.scatter [tilespmem:s11], [sflag:$0x1], $0x80, s7, s10, $0xb8;
	[tilespmem:$0x14800] =	vst v63  }
0xa1: {  	_ = 	snop  }
0xa2: {  	[hbm4b:s2+s10] =	stream.indirect.scatter [tilespmem:s12], [sflag:$0x2], $0x80, s8, s10, $0xb8;
	[tilespmem:$0x14800] =	vst v63  }
0xa3: {  	_ = 	snop  }
0xa4: {  	[hbm4b:s2+s10] =	stream.indirect.scatter [tilespmem:s13], [sflag:$0x1], $0x80, s25, s10, $0xb8;
	[tilespmem:$0x14800] =	vst v63  }
0xa5: {  	_ = 	snop  }
0xa6: {  	[hbm4b:s2+s10] =	stream.indirect.scatter [tilespmem:s14], [sflag:$0x2], $0x80, s26, s10, $0xb8;
	[tilespmem:$0x14800] =	vst v63  }
0xa7: {  	_ = 	snop  }
0xa8: {  	[hbm4b:s2+s10] =	stream.indirect.scatter [tilespmem:s16], [sflag:$0x1], $0x80, s28, s10, $0xb8;
	[tilespmem:$0x14800] =	vst v63  }
0xa9: {  	_ = 	snop  }
0xaa: {  	[hbm4b:s2+s10] =	stream.indirect.scatter [tilespmem:s18], [sflag:$0x2], $0x80, s29, s10, $0xb8;
	[tilespmem:$0x14800] =	vst v63  }
0xab: {  	_ = 	snop  }
0xac: {  	[hbm4b:s2+s10] =	stream.indirect.scatter [tilespmem:s20], [sflag:$0x1], $0x80, s30, s10, $0xb8;
	[tilespmem:$0x14800] =	vst v63  }
0xad: {  	_ = 	snop  }
0xae: {  	[hbm4b:s2+s10] =	stream.indirect.scatter [tilespmem:s22], [sflag:$0x2], $0x80, s31, s10, $0xb8;
	[tilespmem:$0x14800] =	vst v63  }
0xaf: {  	_ =	swait.ge [sflag:s23], $0x2800  }
0xb0: {  	[sflag:s23] =	ssyncset.done $0x0  }
0xb1: {  	[sflag:s23] =	ssyncadd.s32 $0xFFFFD800  }
0xb2: {  	_ =	swait.ge [sflag:s24], $0x2800  }
0xb3: {  	[sflag:s24] =	ssyncset.done $0x0  }
0xb4: {  	[sflag:s24] =	ssyncadd.s32 $0xFFFFD800  }
0xb5: {  	_ =	swait.ge [sflag:s23], $0x2800  }
0xb6: {  	[sflag:s23] =	ssyncset.done $0x0  }
0xb7: {  	[sflag:s23] =	ssyncadd.s32 $0xFFFFD800  }
0xb8: {  	_ =	swait.ge [sflag:s24], $0x2800  }
0xb9: {  	[sflag:s24] =	ssyncset.done $0x0  }
0xba: {  	[sflag:s24] =	ssyncadd.s32 $0xFFFFD800  }
0xbb: {  	_ =	swait.ge [sflag:s23], $0x2800  }
0xbc: {  	[sflag:s23] =	ssyncset.done $0x0  }
0xbd: {  	[sflag:s23] =	ssyncadd.s32 $0xFFFFD800  }
0xbe: {  	_ =	swait.ge [sflag:s24], $0x2800  }
0xbf: {  	[sflag:s24] =	ssyncset.done $0x0  }
0xc0: {  	p0 =	sne.s32 s1, $0x1;
	[sflag:s24] =	ssyncadd.s32 $0xFFFFD800  }
.Ltmp1:
0xc1: {  	_ =	swait.ge [sflag:s23], $0x2800;
	(pc) =	sbr.rel @p0 .LBB2_1-.Ltmp1, $4  }
0xc2: {  	[sflag:s23] =	ssyncset.done $0x0  }
0xc3: {  	[sflag:s23] =	ssyncadd.s32 $0xFFFFD800  }
0xc4: {  	_ =	swait.ge [sflag:s24], $0x2800  }
0xc5: {  	s1 =	sadd.s32 $0xFFFFFFFF, s1;
	[sflag:s24] =	ssyncset.done $0x0  }
.LBB2_2:
0xc6: {  	[sflag:s24] =	ssyncadd.s32 $0xFFFFD800  }
0xc7: {  	_ =	sfence.sel $0x180000  }
0xc8: {  	[bflag:$0x0] =	sbarrier.arrive $0xFFFF  }
0xc9: {  	_ =	strace $0x90000050  }
0xca: {  	s0 =	stileid.u32;
	[bflag:$0x2] =	sbarrier.arrive $0xFFFF  }
0xcb: {  	p0 =	sne.s32 s0, $0x0;
	s0 =	rddreg [dreg:$0x2]  }
0xcc: {  	s0 =	sadd.s32 @!p0 $0x100000, s0  }
0xcd: {  	[sflag:s0] =	ssyncadd.tile.s32 @!p0 $0x1;
	_ =	shalt  }
.Lfunc_end2:
_tile_overlayer_lowered:
.L_overlay_start_2:
0xce: {  	(tag) =	ssettag $0x2  }
0xcf: {  	s0 =	rddreg [dreg:$0x0];
	s2 =	stileid.u32  }
0xd0: {  	s1 =	rddreg [dreg:$0x1];
	p0 =	sne.s32 s2, $0x0  }
0xd1: {  	s3 =	rddreg [dreg:$0x2];
	[bflag:$0x3] =	sbarrier.arrive $0xFFFF;
	s2 =	simm.s32 @!p0 $0x1C03  }
0xd2: {  	[timem:s3], [sflag:s2] =	dma.local @!p0 [hbm:s0], s1  }
0xd3: {  	s0 =	simm.s32 @!p0 $0x3  }
0xd4: {  	_ =	swait.ge @!p0 [sflag:s0], s1  }
0xd5: {  	s1 =	ssub.s32 @!p0 $0x0, s1;
	[sflag:s0] =	ssyncset.done @!p0 $0x0  }
0xd6: {  	[sflag:s0] =	ssyncadd.s32 @!p0 s1  }
0xd7: {  	[bflag:$0x3] =	sbarrier.arrive $0xFFFF  }
0xd8: {  	_ =	shalt  }

</sc_bundles>
